<compile_context>
chip_gen: v7x
topology: tpu7x:2x2x1
jax: 0.10.2.dev20260603
libtpu: 0.0.44.dev20260713+nightly
codegen_flags: <defaults>
</compile_context>

<pallas_src>
import jax
import jax.numpy as jnp
from jax import lax
from jax.experimental import pallas as pl
from jax.experimental.pallas import tpu as pltpu, tpu_sc as plsc

B = 16
N = 16384
K = 1024
L = 16
NCHUNK = N // L
KCHUNK = K // L
IDXROW = 128


def _fps_body(xyz_hbm, feat_hbm, out_hbm, xyz_v, dist_v, idx_v, out_v):
    cid = lax.axis_index("c")
    sid = lax.axis_index("s")

    @pl.when(cid == 0)
    def _():
        b = sid
        pltpu.sync_copy(xyz_hbm.at[b], xyz_v)

        lanes = lax.iota(jnp.int32, L)
        lane0 = lanes == 0

        def init_chunk(c, _):
            dist_v[pl.ds(c * L, L)] = jnp.full((L,), 1e10, dtype=jnp.float32)
            return 0

        lax.fori_loop(0, NCHUNK, init_chunk, 0)

        def record(pos, mi):
            posv = jnp.full((L,), pos, dtype=jnp.int32)
            miv = jnp.full((L,), mi, dtype=jnp.int32)
            plsc.store_scatter(idx_v, [posv], miv, mask=lane0)
            cxv = plsc.load_gather(xyz_v, [jnp.full((L,), 0, jnp.int32), miv])
            cyv = plsc.load_gather(xyz_v, [jnp.full((L,), 1, jnp.int32), miv])
            czv = plsc.load_gather(xyz_v, [jnp.full((L,), 2, jnp.int32), miv])
            zeros = jnp.zeros((L,), jnp.int32)
            plsc.store_scatter(out_v, [zeros, posv], cxv, mask=lane0)
            plsc.store_scatter(out_v, [zeros + 1, posv], cyv, mask=lane0)
            plsc.store_scatter(out_v, [zeros + 2, posv], czv, mask=lane0)
            return cxv, cyv, czv

        def fps_step(k, mi):
            cxv, cyv, czv = record(k - 1, mi)

            bv0 = jnp.full((L,), -1.0, dtype=jnp.float32)
            bi0 = jnp.zeros((L,), dtype=jnp.int32)

            @plsc.parallel_loop(0, NCHUNK, 1, unroll=8, carry=(bv0, bi0))
            def chunk(c, carry):
                bv, bi = carry
                base = c * L
                xv = xyz_v[0, pl.ds(base, L)]
                yv = xyz_v[1, pl.ds(base, L)]
                zv = xyz_v[2, pl.ds(base, L)]
                dx = xv - cxv
                dy = yv - cyv
                dz = zv - czv
                d = (dx * dx + dz * dz) + dy * dy
                dv = dist_v[pl.ds(base, L)]
                nd = jnp.minimum(dv, d)
                dist_v[pl.ds(base, L)] = nd
                upd = nd > bv
                bv = jnp.where(upd, nd, bv)
                bi = jnp.where(upd, base + lanes, bi)
                return bv, bi

            bv, bi = chunk
            m = jnp.max(bv)
            sel = jnp.where(bv == m, bi, jnp.int32(N))
            return jnp.min(sel)

        mi = lax.fori_loop(1, K, fps_step, jnp.int32(0))
        record(K - 1, mi)

        pltpu.sync_copy(feat_hbm.at[b], xyz_v)

        def feat_chunk(c, _):
            base = c * L
            iv = idx_v[pl.ds(base, L)]
            for f in range(3):
                fv = plsc.load_gather(
                    xyz_v, [jnp.full((L,), f, jnp.int32), iv])
                out_v[3 + f, pl.ds(base, L)] = fv
            return 0

        lax.fori_loop(0, KCHUNK, feat_chunk, 0)

        def sum_chunk(c, acc):
            base = c * L
            return (acc[0] + out_v[0, pl.ds(base, L)],
                    acc[1] + out_v[1, pl.ds(base, L)],
                    acc[2] + out_v[2, pl.ds(base, L)])

        z16 = jnp.zeros((L,), jnp.float32)
        sx, sy, sz = lax.fori_loop(0, KCHUNK, sum_chunk, (z16, z16, z16))
        inv_k = jnp.float32(1.0 / K)
        mx = jnp.sum(sx) * inv_k
        my = jnp.sum(sy) * inv_k
        mz = jnp.sum(sz) * inv_k
        mxv = jnp.full((L,), mx, dtype=jnp.float32)
        myv = jnp.full((L,), my, dtype=jnp.float32)
        mzv = jnp.full((L,), mz, dtype=jnp.float32)

        def max_chunk(c, acc):
            base = c * L
            ax = jnp.abs(out_v[0, pl.ds(base, L)] - mxv)
            ay = jnp.abs(out_v[1, pl.ds(base, L)] - myv)
            az = jnp.abs(out_v[2, pl.ds(base, L)] - mzv)
            return jnp.maximum(acc, jnp.maximum(jnp.maximum(ax, ay), az))

        mv = lax.fori_loop(0, KCHUNK, max_chunk, z16)
        scale = jnp.maximum(jnp.max(mv), jnp.float32(1e-6))
        sclv = jnp.full((L,), scale, dtype=jnp.float32)

        def norm_chunk(c, _):
            base = c * L
            out_v[0, pl.ds(base, L)] = (out_v[0, pl.ds(base, L)] - mxv) / sclv
            out_v[1, pl.ds(base, L)] = (out_v[1, pl.ds(base, L)] - myv) / sclv
            out_v[2, pl.ds(base, L)] = (out_v[2, pl.ds(base, L)] - mzv) / sclv
            return 0

        lax.fori_loop(0, KCHUNK, norm_chunk, 0)

        pltpu.sync_copy(out_v, out_hbm.at[b])


@jax.jit
def kernel(points):
    xyz_t = jnp.transpose(points[:, :, :3], (0, 2, 1))
    feat_t = jnp.transpose(points[:, :, 3:], (0, 2, 1))
    mesh = plsc.VectorSubcoreMesh(core_axis_name="c", subcore_axis_name="s")
    out_t = pl.kernel(
        _fps_body,
        out_type=jax.ShapeDtypeStruct((B, 6, K), jnp.float32),
        mesh=mesh,
        compiler_params=pltpu.CompilerParams(needs_layout_passes=False),
        scratch_types=[
            pltpu.VMEM((3, N), jnp.float32),
            pltpu.VMEM((N,), jnp.float32),
            pltpu.VMEM((K,), jnp.int32),
            pltpu.VMEM((6, K), jnp.float32),
        ],
    )(xyz_t, feat_t)
    return jnp.transpose(out_t, (0, 2, 1))

# --- scband reference (transcript-rebuilt; emitter-appended) ---
"""Pipeline reference for scband-point-cloud-processor-26980984553514 (READ-ONLY COPY).

The authoritative reference and input builder live on the scoring server;
editing this copy changes nothing except your own understanding.
"""

import jax, jax.numpy as jnp
import numpy as np

NUM_POINTS = 1024


def setup_inputs(seed: int = 0) -> dict:
    key = jax.random.key(seed)
    points = jax.random.normal(key, (16, 16384, 6), dtype=jnp.float32)
    return {"points": points}


def _fps_indices(xyz, K):
    # xyz: (B, N, 3). Deterministic variant: first centroid is index 0
    # (torch version uses a random first index; choice does not change the algorithm).
    B, N, _ = xyz.shape
    far0 = jnp.zeros((B,), dtype=jnp.int32)
    dist0 = jnp.full((B, N), 1e10, dtype=xyz.dtype)

    def step(carry, _):
        distances, last = carry
        lp = jnp.take_along_axis(xyz, last[:, None, None], axis=1)  # (B,1,3)
        d = jnp.sum((xyz - lp) ** 2, axis=-1)  # (B,N)
        distances = jnp.minimum(distances, d)
        nxt = jnp.argmax(distances, axis=-1).astype(jnp.int32)
        return (distances, nxt), nxt

    (_, _), rest = jax.lax.scan(step, (dist0, far0), None, length=K - 1)  # rest: (K-1, B)
    centroids = jnp.concatenate([far0[None, :], rest], axis=0).T  # (B, K)
    return centroids


def reference(points):
    B, N, D = points.shape
    K = min(NUM_POINTS, N)
    # workspace_bounds is None -> no cropping mask
    centroids = _fps_indices(points[:, :, :3], K)  # (B, K) int32
    sampled = jnp.take_along_axis(points, centroids[:, :, None], axis=1)  # (B, K, D)
    # normalize xyz
    xyz = sampled[:, :, :3]
    centroid = jnp.mean(xyz, axis=1, keepdims=True)
    xyz = xyz - centroid
    scale = jnp.max(jnp.max(jnp.abs(xyz), axis=1, keepdims=True), axis=-1, keepdims=True)
    scale = jnp.clip(scale, 1e-6, None)
    xyz = xyz / scale
    if D > 3:
        out = jnp.concatenate([xyz, sampled[:, :, 3:]], axis=-1)
    else:
        out = xyz
    return out

if __name__ == "__main__":
    import jax
    _d = setup_inputs()
    print(jax.jit(kernel)(*tuple(_d.values())))

</pallas_src>

<mosaic_0001>
#map = affine_map<(d0, d1) -> (0, 0, 0)>
module attributes {stable_mosaic.version = 14 : i64} {
  func.func @_fps_body(%arg0: i32, %arg1: i32, %arg2: memref<16x3x16384xf32, #tpu.memory_space<hbm>>, %arg3: memref<16x3x16384xf32, #tpu.memory_space<hbm>>, %arg4: memref<16x6x1024xf32, #tpu.memory_space<hbm>>, %arg5: memref<3x16384xf32, #tpu.memory_space<vmem>>, %arg6: memref<16384xf32, #tpu.memory_space<vmem>>, %arg7: memref<1024xi32, #tpu.memory_space<vmem>>, %arg8: memref<6x1024xf32, #tpu.memory_space<vmem>>) attributes {dimension_semantics = [#tpu.dimension_semantics<core_parallel>, #tpu.dimension_semantics<subcore_parallel>], iteration_bounds = array<i64: 2, 16>, scalar_prefetch = 0 : i64, scratch_operands = 4 : i64, tpu.core_type = #tpu.core_type<sc_vector_subcore>, window_params = [{transform_indices = #map}, {transform_indices = #map}, {transform_indices = #map}]} {
    %eq3A = arith.constant 0 : i32
    %eq3A_0 = arith.cmpi eq, %arg0, %eq3A : i32
    %convert_element_type3A = arith.extui %eq3A_0 : i1 to i32
    %cond3A = arith.constant 0 : i32
    %cond3A_1 = arith.cmpi ne, %convert_element_type3A, %cond3A : i32
    scf.if %cond3A_1 {
      "tpu.region"() ({
        %run_scoped3A = tpu.sem_alloc : memref<!tpu.dma_semaphore, #tpu.memory_space<semaphore_mem>>
        %dma_start3A = arith.constant 0 : i32
        %dma_start3A_87 = arith.constant 0 : i32
        %dma_start3A_88 = tpu.memref_slice %arg2[%arg1, %dma_start3A, %dma_start3A_87] : memref<16x3x16384xf32, #tpu.memory_space<hbm>> -> memref<1x3x16384xf32, #tpu.memory_space<hbm>>
        %dma_start3A_89 = tpu.memref_squeeze %dma_start3A_88 : memref<1x3x16384xf32, #tpu.memory_space<hbm>> -> memref<3x16384xf32, #tpu.memory_space<hbm>>
        %dma_start3A_90 = arith.constant 0 : i32
        %dma_start3A_91 = arith.constant 0 : i32
        %dma_start3A_92 = tpu.memref_slice %arg2[%arg1, %dma_start3A_90, %dma_start3A_91] : memref<16x3x16384xf32, #tpu.memory_space<hbm>> -> memref<1x3x16384xf32, #tpu.memory_space<hbm>>
        %dma_start3A_93 = tpu.memref_squeeze %dma_start3A_92 : memref<1x3x16384xf32, #tpu.memory_space<hbm>> -> memref<3x16384xf32, #tpu.memory_space<hbm>>
        tpu.enqueue_dma source(%dma_start3A_93 : memref<3x16384xf32, #tpu.memory_space<hbm>>) target(%arg5 : memref<3x16384xf32, #tpu.memory_space<vmem>>) target_semaphore(%run_scoped3A : memref<!tpu.dma_semaphore, #tpu.memory_space<semaphore_mem>>)
        %dma_wait3A = arith.constant 0 : i32
        %dma_wait3A_94 = arith.constant 0 : i32
        %dma_wait3A_95 = tpu.memref_slice %arg2[%arg1, %dma_wait3A, %dma_wait3A_94] : memref<16x3x16384xf32, #tpu.memory_space<hbm>> -> memref<1x3x16384xf32, #tpu.memory_space<hbm>>
        %dma_wait3A_96 = tpu.memref_squeeze %dma_wait3A_95 : memref<1x3x16384xf32, #tpu.memory_space<hbm>> -> memref<3x16384xf32, #tpu.memory_space<hbm>>
        %dma_wait3A_97 = arith.constant 0 : i32
        %dma_wait3A_98 = arith.constant 0 : i32
        %dma_wait3A_99 = tpu.memref_slice %arg2[%arg1, %dma_wait3A_97, %dma_wait3A_98] : memref<16x3x16384xf32, #tpu.memory_space<hbm>> -> memref<1x3x16384xf32, #tpu.memory_space<hbm>>
        %dma_wait3A_100 = tpu.memref_squeeze %dma_wait3A_99 : memref<1x3x16384xf32, #tpu.memory_space<hbm>> -> memref<3x16384xf32, #tpu.memory_space<hbm>>
        tpu.wait_dma2 semaphore(%run_scoped3A : memref<!tpu.dma_semaphore, #tpu.memory_space<semaphore_mem>>) src(%dma_wait3A_100 : memref<3x16384xf32, #tpu.memory_space<hbm>>) dst(%arg5 : memref<3x16384xf32, #tpu.memory_space<vmem>>)
        tpu.yield
      }) : () -> ()
      %iota3A = tpu.iota {dimensions = array<i32: 0>} : vector<16xi32>
      %eq3A_2 = arith.constant 0 : i32
      %eq3A_3 = vector.broadcast %eq3A_2 : i32 to vector<16xi32>
      %eq3A_4 = arith.cmpi eq, %iota3A, %eq3A_3 : vector<16xi32>
      %scan3A = arith.constant 0 : i32
      %scan3A_5 = arith.constant 0 : i32
      %scan3A_6 = arith.constant 1024 : i32
      %scan3A_7 = arith.addi %scan3A_5, %scan3A_6 : i32
      %scan3A_8 = arith.constant 1 : i32
      %scan3A_9 = scf.for %scan3A_87 = %scan3A_5 to %scan3A_7 step %scan3A_8 iter_args(%scan3A_88 = %scan3A) -> (i32)  : i32 {
        %broadcast_in_dim3A_89 = arith.constant 1.000000e+10 : f32
        %broadcast_in_dim3A_90 = vector.broadcast %broadcast_in_dim3A_89 : f32 to vector<16xf32>
        %mul3A_91 = arith.constant 16 : i32
        %mul3A_92 = arith.muli %scan3A_87, %mul3A_91 : i32
        %swap3A = arith.index_cast %mul3A_92 : i32 to index
        %swap3A_93 = tpu.vector_load %arg6[%swap3A] {strides = array<i32>} : memref<16384xf32, #tpu.memory_space<vmem>>, vector<16xf32>,
        tpu.vector_store %arg6[%swap3A], %broadcast_in_dim3A_90 {strides = array<i32>} : memref<16384xf32, #tpu.memory_space<vmem>>, vector<16xf32>,
        %scan3A_94 = arith.constant 0 : i32
        scf.yield %scan3A_94 : i32
      }
      %scan3A_10 = arith.constant 1024 : i32
      %scan3A_11 = arith.constant 0 : i32
      %scan3A_12 = arith.constant 1 : i32
      %scan3A_13 = arith.constant 1023 : i32
      %scan3A_14 = arith.addi %scan3A_12, %scan3A_13 : i32
      %scan3A_15 = arith.constant 1 : i32
      %scan3A_16 = scf.for %scan3A_87 = %scan3A_12 to %scan3A_14 step %scan3A_15 iter_args(%scan3A_88 = %scan3A_11) -> (i32)  : i32 {
        %sub3A = arith.constant 1 : i32
        %sub3A_89 = arith.subi %scan3A_87, %sub3A : i32
        %broadcast_in_dim3A_90 = vector.broadcast %sub3A_89 : i32 to vector<16xi32>
        %broadcast_in_dim3A_91 = vector.broadcast %scan3A_88 : i32 to vector<16xi32>
        tpu.vector_store_idx %arg7[%broadcast_in_dim3A_90], %broadcast_in_dim3A_91 masked %eq3A_4 : memref<1024xi32, #tpu.memory_space<vmem>>[vector<16xi32>], vector<16xi32>, vector<16xi1>
        %broadcast_in_dim3A_92 = arith.constant 0 : i32
        %broadcast_in_dim3A_93 = vector.broadcast %broadcast_in_dim3A_92 : i32 to vector<16xi32>
        %gather3A_94 = tpu.vector_load_idx %arg5[%broadcast_in_dim3A_93, %broadcast_in_dim3A_91] : memref<3x16384xf32, #tpu.memory_space<vmem>>[vector<16xi32>, vector<16xi32>], vector<16xf32>,
        %broadcast_in_dim3A_95 = arith.constant 1 : i32
        %broadcast_in_dim3A_96 = vector.broadcast %broadcast_in_dim3A_95 : i32 to vector<16xi32>
        %gather3A_97 = tpu.vector_load_idx %arg5[%broadcast_in_dim3A_96, %broadcast_in_dim3A_91] : memref<3x16384xf32, #tpu.memory_space<vmem>>[vector<16xi32>, vector<16xi32>], vector<16xf32>,
        %broadcast_in_dim3A_98 = arith.constant 2 : i32
        %broadcast_in_dim3A_99 = vector.broadcast %broadcast_in_dim3A_98 : i32 to vector<16xi32>
        %gather3A_100 = tpu.vector_load_idx %arg5[%broadcast_in_dim3A_99, %broadcast_in_dim3A_91] : memref<3x16384xf32, #tpu.memory_space<vmem>>[vector<16xi32>, vector<16xi32>], vector<16xf32>,
        %broadcast_in_dim3A_101 = arith.constant 0 : i32
        %broadcast_in_dim3A_102 = vector.broadcast %broadcast_in_dim3A_101 : i32 to vector<16xi32>
        tpu.vector_store_idx %arg8[%broadcast_in_dim3A_102, %broadcast_in_dim3A_90], %gather3A_94 masked %eq3A_4 : memref<6x1024xf32, #tpu.memory_space<vmem>>[vector<16xi32>, vector<16xi32>], vector<16xf32>, vector<16xi1>
        %add3A_103 = arith.constant 1 : i32
        %add3A_104 = vector.broadcast %add3A_103 : i32 to vector<16xi32>
        %add3A_105 = arith.addi %broadcast_in_dim3A_102, %add3A_104 : vector<16xi32>
        tpu.vector_store_idx %arg8[%add3A_105, %broadcast_in_dim3A_90], %gather3A_97 masked %eq3A_4 : memref<6x1024xf32, #tpu.memory_space<vmem>>[vector<16xi32>, vector<16xi32>], vector<16xf32>, vector<16xi1>
        %add3A_106 = arith.constant 2 : i32
        %add3A_107 = vector.broadcast %add3A_106 : i32 to vector<16xi32>
        %add3A_108 = arith.addi %broadcast_in_dim3A_102, %add3A_107 : vector<16xi32>
        tpu.vector_store_idx %arg8[%add3A_108, %broadcast_in_dim3A_90], %gather3A_100 masked %eq3A_4 : memref<6x1024xf32, #tpu.memory_space<vmem>>[vector<16xi32>, vector<16xi32>], vector<16xf32>, vector<16xi1>
        %broadcast_in_dim3A_109 = arith.constant -1.000000e+00 : f32
        %broadcast_in_dim3A_110 = vector.broadcast %broadcast_in_dim3A_109 : f32 to vector<16xf32>
        %broadcast_in_dim3A_111 = arith.constant 0 : i32
        %broadcast_in_dim3A_112 = vector.broadcast %broadcast_in_dim3A_111 : i32 to vector<16xi32>
        %parallel_loop3A = arith.constant 0 : i32
        %parallel_loop3A_113 = arith.constant 1024 : i32
        %parallel_loop3A_114 = arith.constant 1 : i32
        %parallel_loop3A_115:2 = scf.for %parallel_loop3A_130 = %parallel_loop3A to %parallel_loop3A_113 step %parallel_loop3A_114 iter_args(%parallel_loop3A_131 = %broadcast_in_dim3A_110, %parallel_loop3A_132 = %broadcast_in_dim3A_112) -> (vector<16xf32>, vector<16xi32>)  : i32 {
          %parallel_loop3A_133 = arith.constant 16 : i32
          %parallel_loop3A_134 = arith.muli %parallel_loop3A_130, %parallel_loop3A_133 : i32
          %parallel_loop3A_135 = arith.constant 0 : i32
          %parallel_loop3A_136 = arith.index_cast %parallel_loop3A_135 : i32 to index
          %parallel_loop3A_137 = arith.index_cast %parallel_loop3A_134 : i32 to index
          %parallel_loop3A_138 = tpu.vector_load %arg5[%parallel_loop3A_136, %parallel_loop3A_137] {strides = array<i32>} : memref<3x16384xf32, #tpu.memory_space<vmem>>, vector<16xf32>,
          %parallel_loop3A_139 = arith.constant 1 : i32
          %parallel_loop3A_140 = arith.index_cast %parallel_loop3A_139 : i32 to index
          %parallel_loop3A_141 = arith.index_cast %parallel_loop3A_134 : i32 to index
          %parallel_loop3A_142 = tpu.vector_load %arg5[%parallel_loop3A_140, %parallel_loop3A_141] {strides = array<i32>} : memref<3x16384xf32, #tpu.memory_space<vmem>>, vector<16xf32>,
          %parallel_loop3A_143 = arith.constant 2 : i32
          %parallel_loop3A_144 = arith.index_cast %parallel_loop3A_143 : i32 to index
          %parallel_loop3A_145 = arith.index_cast %parallel_loop3A_134 : i32 to index
          %parallel_loop3A_146 = tpu.vector_load %arg5[%parallel_loop3A_144, %parallel_loop3A_145] {strides = array<i32>} : memref<3x16384xf32, #tpu.memory_space<vmem>>, vector<16xf32>,
          %parallel_loop3A_147 = arith.subf %parallel_loop3A_138, %gather3A_94 : vector<16xf32>
          %parallel_loop3A_148 = arith.subf %parallel_loop3A_142, %gather3A_97 : vector<16xf32>
          %parallel_loop3A_149 = arith.subf %parallel_loop3A_146, %gather3A_100 : vector<16xf32>
          %parallel_loop3A_150 = arith.mulf %parallel_loop3A_147, %parallel_loop3A_147 : vector<16xf32>
          %parallel_loop3A_151 = arith.mulf %parallel_loop3A_149, %parallel_loop3A_149 : vector<16xf32>
          %parallel_loop3A_152 = arith.addf %parallel_loop3A_150, %parallel_loop3A_151 : vector<16xf32>
          %parallel_loop3A_153 = arith.mulf %parallel_loop3A_148, %parallel_loop3A_148 : vector<16xf32>
          %parallel_loop3A_154 = arith.addf %parallel_loop3A_152, %parallel_loop3A_153 : vector<16xf32>
          %parallel_loop3A_155 = arith.index_cast %parallel_loop3A_134 : i32 to index
          %parallel_loop3A_156 = tpu.vector_load %arg6[%parallel_loop3A_155] {strides = array<i32>} : memref<16384xf32, #tpu.memory_space<vmem>>, vector<16xf32>,
          %parallel_loop3A_157 = arith.minimumf %parallel_loop3A_156, %parallel_loop3A_154 : vector<16xf32>
          %parallel_loop3A_158 = arith.index_cast %parallel_loop3A_134 : i32 to index
          %parallel_loop3A_159 = tpu.vector_load %arg6[%parallel_loop3A_158] {strides = array<i32>} : memref<16384xf32, #tpu.memory_space<vmem>>, vector<16xf32>,
          tpu.vector_store %arg6[%parallel_loop3A_158], %parallel_loop3A_157 {strides = array<i32>} : memref<16384xf32, #tpu.memory_space<vmem>>, vector<16xf32>,
          %parallel_loop3A_160 = arith.cmpf ogt, %parallel_loop3A_157, %parallel_loop3A_131 : vector<16xf32>
          %parallel_loop3A_161 = arith.select %parallel_loop3A_160, %parallel_loop3A_157, %parallel_loop3A_131 : vector<16xi1>, vector<16xf32>
          %parallel_loop3A_162 = vector.broadcast %parallel_loop3A_134 : i32 to vector<16xi32>
          %parallel_loop3A_163 = arith.addi %parallel_loop3A_162, %iota3A : vector<16xi32>
          %parallel_loop3A_164 = arith.select %parallel_loop3A_160, %parallel_loop3A_163, %parallel_loop3A_132 : vector<16xi1>, vector<16xi32>
          scf.yield %parallel_loop3A_161, %parallel_loop3A_164 : vector<16xf32>, vector<16xi32>
        } {sc.loop_unroll_factor = 8 : i64, sc.parallel_access}
        %reduce_max3A_116 = arith.constant true
        %reduce_max3A_117 = vector.broadcast %reduce_max3A_116 : i1 to vector<16xi1>
        %reduce_max3A_118 = tpu.scan <max>, %parallel_loop3A_115#0 masked %reduce_max3A_117 : vector<16xf32>, vector<16xi1> -> vector<16xf32>
        %reduce_max3A_119 = vector.extract %reduce_max3A_118[15] : f32 from vector<16xf32>
        %eq3A_120 = vector.broadcast %reduce_max3A_119 : f32 to vector<16xf32>
        %eq3A_121 = arith.cmpf oeq, %parallel_loop3A_115#0, %eq3A_120 : vector<16xf32>
        %jit3A = arith.constant 16384 : i32
        %broadcast_in_dim3A_122 = vector.broadcast %jit3A : i32 to vector<16xi32>
        %select_n3A = arith.select %eq3A_121, %parallel_loop3A_115#1, %broadcast_in_dim3A_122 : vector<16xi1>, vector<16xi32>
        %reduce_min3A = arith.constant true
        %reduce_min3A_123 = vector.broadcast %reduce_min3A : i1 to vector<16xi1>
        %reduce_min3A_124 = arith.constant -2147483648 : i32
        %reduce_min3A_125 = vector.broadcast %reduce_min3A_124 : i32 to vector<16xi32>
        %reduce_min3A_126 = arith.xori %select_n3A, %reduce_min3A_125 : vector<16xi32>
        %reduce_min3A_127 = tpu.scan <min>, %reduce_min3A_126 masked %reduce_min3A_123 : vector<16xi32>, vector<16xi1> -> vector<16xi32>
        %reduce_min3A_128 = arith.xori %reduce_min3A_127, %reduce_min3A_125 : vector<16xi32>
        %reduce_min3A_129 = vector.extract %reduce_min3A_128[15] : i32 from vector<16xi32>
        scf.yield %reduce_min3A_129 : i32
      }
      %scan3A_17 = arith.constant 1023 : i32
      %broadcast_in_dim3A = arith.constant 1023 : i32
      %broadcast_in_dim3A_18 = vector.broadcast %broadcast_in_dim3A : i32 to vector<16xi32>
      %broadcast_in_dim3A_19 = vector.broadcast %scan3A_16 : i32 to vector<16xi32>
      tpu.vector_store_idx %arg7[%broadcast_in_dim3A_18], %broadcast_in_dim3A_19 masked %eq3A_4 : memref<1024xi32, #tpu.memory_space<vmem>>[vector<16xi32>], vector<16xi32>, vector<16xi1>
      %broadcast_in_dim3A_20 = arith.constant 0 : i32
      %broadcast_in_dim3A_21 = vector.broadcast %broadcast_in_dim3A_20 : i32 to vector<16xi32>
      %gather3A = tpu.vector_load_idx %arg5[%broadcast_in_dim3A_21, %broadcast_in_dim3A_19] : memref<3x16384xf32, #tpu.memory_space<vmem>>[vector<16xi32>, vector<16xi32>], vector<16xf32>,
      %broadcast_in_dim3A_22 = arith.constant 1 : i32
      %broadcast_in_dim3A_23 = vector.broadcast %broadcast_in_dim3A_22 : i32 to vector<16xi32>
      %gather3A_24 = tpu.vector_load_idx %arg5[%broadcast_in_dim3A_23, %broadcast_in_dim3A_19] : memref<3x16384xf32, #tpu.memory_space<vmem>>[vector<16xi32>, vector<16xi32>], vector<16xf32>,
      %broadcast_in_dim3A_25 = arith.constant 2 : i32
      %broadcast_in_dim3A_26 = vector.broadcast %broadcast_in_dim3A_25 : i32 to vector<16xi32>
      %gather3A_27 = tpu.vector_load_idx %arg5[%broadcast_in_dim3A_26, %broadcast_in_dim3A_19] : memref<3x16384xf32, #tpu.memory_space<vmem>>[vector<16xi32>, vector<16xi32>], vector<16xf32>,
      %broadcast_in_dim3A_28 = arith.constant 0 : i32
      %broadcast_in_dim3A_29 = vector.broadcast %broadcast_in_dim3A_28 : i32 to vector<16xi32>
      tpu.vector_store_idx %arg8[%broadcast_in_dim3A_29, %broadcast_in_dim3A_18], %gather3A masked %eq3A_4 : memref<6x1024xf32, #tpu.memory_space<vmem>>[vector<16xi32>, vector<16xi32>], vector<16xf32>, vector<16xi1>
      %add3A = arith.constant 1 : i32
      %add3A_30 = vector.broadcast %add3A : i32 to vector<16xi32>
      %add3A_31 = arith.addi %broadcast_in_dim3A_29, %add3A_30 : vector<16xi32>
      tpu.vector_store_idx %arg8[%add3A_31, %broadcast_in_dim3A_18], %gather3A_24 masked %eq3A_4 : memref<6x1024xf32, #tpu.memory_space<vmem>>[vector<16xi32>, vector<16xi32>], vector<16xf32>, vector<16xi1>
      %add3A_32 = arith.constant 2 : i32
      %add3A_33 = vector.broadcast %add3A_32 : i32 to vector<16xi32>
      %add3A_34 = arith.addi %broadcast_in_dim3A_29, %add3A_33 : vector<16xi32>
      tpu.vector_store_idx %arg8[%add3A_34, %broadcast_in_dim3A_18], %gather3A_27 masked %eq3A_4 : memref<6x1024xf32, #tpu.memory_space<vmem>>[vector<16xi32>, vector<16xi32>], vector<16xf32>, vector<16xi1>
      "tpu.region"() ({
        %run_scoped3A = tpu.sem_alloc : memref<!tpu.dma_semaphore, #tpu.memory_space<semaphore_mem>>
        %dma_start3A = arith.constant 0 : i32
        %dma_start3A_87 = arith.constant 0 : i32
        %dma_start3A_88 = tpu.memref_slice %arg3[%arg1, %dma_start3A, %dma_start3A_87] : memref<16x3x16384xf32, #tpu.memory_space<hbm>> -> memref<1x3x16384xf32, #tpu.memory_space<hbm>>
        %dma_start3A_89 = tpu.memref_squeeze %dma_start3A_88 : memref<1x3x16384xf32, #tpu.memory_space<hbm>> -> memref<3x16384xf32, #tpu.memory_space<hbm>>
        %dma_start3A_90 = arith.constant 0 : i32
        %dma_start3A_91 = arith.constant 0 : i32
        %dma_start3A_92 = tpu.memref_slice %arg3[%arg1, %dma_start3A_90, %dma_start3A_91] : memref<16x3x16384xf32, #tpu.memory_space<hbm>> -> memref<1x3x16384xf32, #tpu.memory_space<hbm>>
        %dma_start3A_93 = tpu.memref_squeeze %dma_start3A_92 : memref<1x3x16384xf32, #tpu.memory_space<hbm>> -> memref<3x16384xf32, #tpu.memory_space<hbm>>
        tpu.enqueue_dma source(%dma_start3A_93 : memref<3x16384xf32, #tpu.memory_space<hbm>>) target(%arg5 : memref<3x16384xf32, #tpu.memory_space<vmem>>) target_semaphore(%run_scoped3A : memref<!tpu.dma_semaphore, #tpu.memory_space<semaphore_mem>>)
        %dma_wait3A = arith.constant 0 : i32
        %dma_wait3A_94 = arith.constant 0 : i32
        %dma_wait3A_95 = tpu.memref_slice %arg3[%arg1, %dma_wait3A, %dma_wait3A_94] : memref<16x3x16384xf32, #tpu.memory_space<hbm>> -> memref<1x3x16384xf32, #tpu.memory_space<hbm>>
        %dma_wait3A_96 = tpu.memref_squeeze %dma_wait3A_95 : memref<1x3x16384xf32, #tpu.memory_space<hbm>> -> memref<3x16384xf32, #tpu.memory_space<hbm>>
        %dma_wait3A_97 = arith.constant 0 : i32
        %dma_wait3A_98 = arith.constant 0 : i32
        %dma_wait3A_99 = tpu.memref_slice %arg3[%arg1, %dma_wait3A_97, %dma_wait3A_98] : memref<16x3x16384xf32, #tpu.memory_space<hbm>> -> memref<1x3x16384xf32, #tpu.memory_space<hbm>>
        %dma_wait3A_100 = tpu.memref_squeeze %dma_wait3A_99 : memref<1x3x16384xf32, #tpu.memory_space<hbm>> -> memref<3x16384xf32, #tpu.memory_space<hbm>>
        tpu.wait_dma2 semaphore(%run_scoped3A : memref<!tpu.dma_semaphore, #tpu.memory_space<semaphore_mem>>) src(%dma_wait3A_100 : memref<3x16384xf32, #tpu.memory_space<hbm>>) dst(%arg5 : memref<3x16384xf32, #tpu.memory_space<vmem>>)
        tpu.yield
      }) : () -> ()
      %scan3A_35 = arith.constant 0 : i32
      %scan3A_36 = arith.constant 0 : i32
      %scan3A_37 = arith.constant 64 : i32
      %scan3A_38 = arith.addi %scan3A_36, %scan3A_37 : i32
      %scan3A_39 = arith.constant 1 : i32
      %scan3A_40 = scf.for %scan3A_87 = %scan3A_36 to %scan3A_38 step %scan3A_39 iter_args(%scan3A_88 = %scan3A_35) -> (i32)  : i32 {
        %mul3A_89 = arith.constant 16 : i32
        %mul3A_90 = arith.muli %scan3A_87, %mul3A_89 : i32
        %get3A = arith.index_cast %mul3A_90 : i32 to index
        %get3A_91 = tpu.vector_load %arg7[%get3A] {strides = array<i32>} : memref<1024xi32, #tpu.memory_space<vmem>>, vector<16xi32>,
        %broadcast_in_dim3A_92 = arith.constant 0 : i32
        %broadcast_in_dim3A_93 = vector.broadcast %broadcast_in_dim3A_92 : i32 to vector<16xi32>
        %gather3A_94 = tpu.vector_load_idx %arg5[%broadcast_in_dim3A_93, %get3A_91] : memref<3x16384xf32, #tpu.memory_space<vmem>>[vector<16xi32>, vector<16xi32>], vector<16xf32>,
        %swap3A = arith.constant 3 : i32
        %swap3A_95 = arith.index_cast %swap3A : i32 to index
        %swap3A_96 = arith.index_cast %mul3A_90 : i32 to index
        %swap3A_97 = tpu.vector_load %arg8[%swap3A_95, %swap3A_96] {strides = array<i32>} : memref<6x1024xf32, #tpu.memory_space<vmem>>, vector<16xf32>,
        tpu.vector_store %arg8[%swap3A_95, %swap3A_96], %gather3A_94 {strides = array<i32>} : memref<6x1024xf32, #tpu.memory_space<vmem>>, vector<16xf32>,
        %broadcast_in_dim3A_98 = arith.constant 1 : i32
        %broadcast_in_dim3A_99 = vector.broadcast %broadcast_in_dim3A_98 : i32 to vector<16xi32>
        %gather3A_100 = tpu.vector_load_idx %arg5[%broadcast_in_dim3A_99, %get3A_91] : memref<3x16384xf32, #tpu.memory_space<vmem>>[vector<16xi32>, vector<16xi32>], vector<16xf32>,
        %swap3A_101 = arith.constant 4 : i32
        %swap3A_102 = arith.index_cast %swap3A_101 : i32 to index
        %swap3A_103 = arith.index_cast %mul3A_90 : i32 to index
        %swap3A_104 = tpu.vector_load %arg8[%swap3A_102, %swap3A_103] {strides = array<i32>} : memref<6x1024xf32, #tpu.memory_space<vmem>>, vector<16xf32>,
        tpu.vector_store %arg8[%swap3A_102, %swap3A_103], %gather3A_100 {strides = array<i32>} : memref<6x1024xf32, #tpu.memory_space<vmem>>, vector<16xf32>,
        %broadcast_in_dim3A_105 = arith.constant 2 : i32
        %broadcast_in_dim3A_106 = vector.broadcast %broadcast_in_dim3A_105 : i32 to vector<16xi32>
        %gather3A_107 = tpu.vector_load_idx %arg5[%broadcast_in_dim3A_106, %get3A_91] : memref<3x16384xf32, #tpu.memory_space<vmem>>[vector<16xi32>, vector<16xi32>], vector<16xf32>,
        %swap3A_108 = arith.constant 5 : i32
        %swap3A_109 = arith.index_cast %swap3A_108 : i32 to index
        %swap3A_110 = arith.index_cast %mul3A_90 : i32 to index
        %swap3A_111 = tpu.vector_load %arg8[%swap3A_109, %swap3A_110] {strides = array<i32>} : memref<6x1024xf32, #tpu.memory_space<vmem>>, vector<16xf32>,
        tpu.vector_store %arg8[%swap3A_109, %swap3A_110], %gather3A_107 {strides = array<i32>} : memref<6x1024xf32, #tpu.memory_space<vmem>>, vector<16xf32>,
        %scan3A_112 = arith.constant 0 : i32
        scf.yield %scan3A_112 : i32
      }
      %scan3A_41 = arith.constant 64 : i32
      %broadcast_in_dim3A_42 = arith.constant 0.000000e+00 : f32
      %broadcast_in_dim3A_43 = vector.broadcast %broadcast_in_dim3A_42 : f32 to vector<16xf32>
      %scan3A_44 = arith.constant 0 : i32
      %scan3A_45 = arith.constant 64 : i32
      %scan3A_46 = arith.addi %scan3A_44, %scan3A_45 : i32
      %scan3A_47 = arith.constant 1 : i32
      %scan3A_48:3 = scf.for %scan3A_87 = %scan3A_44 to %scan3A_46 step %scan3A_47 iter_args(%scan3A_88 = %broadcast_in_dim3A_43, %scan3A_89 = %broadcast_in_dim3A_43, %scan3A_90 = %broadcast_in_dim3A_43) -> (vector<16xf32>, vector<16xf32>, vector<16xf32>)  : i32 {
        %mul3A_91 = arith.constant 16 : i32
        %mul3A_92 = arith.muli %scan3A_87, %mul3A_91 : i32
        %get3A = arith.constant 0 : i32
        %get3A_93 = arith.index_cast %get3A : i32 to index
        %get3A_94 = arith.index_cast %mul3A_92 : i32 to index
        %get3A_95 = tpu.vector_load %arg8[%get3A_93, %get3A_94] {strides = array<i32>} : memref<6x1024xf32, #tpu.memory_space<vmem>>, vector<16xf32>,
        %add3A_96 = arith.addf %scan3A_88, %get3A_95 : vector<16xf32>
        %get3A_97 = arith.constant 1 : i32
        %get3A_98 = arith.index_cast %get3A_97 : i32 to index
        %get3A_99 = arith.index_cast %mul3A_92 : i32 to index
        %get3A_100 = tpu.vector_load %arg8[%get3A_98, %get3A_99] {strides = array<i32>} : memref<6x1024xf32, #tpu.memory_space<vmem>>, vector<16xf32>,
        %add3A_101 = arith.addf %scan3A_89, %get3A_100 : vector<16xf32>
        %get3A_102 = arith.constant 2 : i32
        %get3A_103 = arith.index_cast %get3A_102 : i32 to index
        %get3A_104 = arith.index_cast %mul3A_92 : i32 to index
        %get3A_105 = tpu.vector_load %arg8[%get3A_103, %get3A_104] {strides = array<i32>} : memref<6x1024xf32, #tpu.memory_space<vmem>>, vector<16xf32>,
        %add3A_106 = arith.addf %scan3A_90, %get3A_105 : vector<16xf32>
        scf.yield %add3A_96, %add3A_101, %add3A_106 : vector<16xf32>, vector<16xf32>, vector<16xf32>
      }
      %scan3A_49 = arith.constant 64 : i32
      %reduce_sum3A = arith.constant true
      %reduce_sum3A_50 = vector.broadcast %reduce_sum3A : i1 to vector<16xi1>
      %reduce_sum3A_51 = tpu.scan <sum>, %scan3A_48#0 masked %reduce_sum3A_50 : vector<16xf32>, vector<16xi1> -> vector<16xf32>
      %reduce_sum3A_52 = vector.extract %reduce_sum3A_51[15] : f32 from vector<16xf32>
      %mul3A = arith.constant 9.765625E-4 : f32
      %mul3A_53 = arith.mulf %reduce_sum3A_52, %mul3A : f32
      %reduce_sum3A_54 = arith.constant true
      %reduce_sum3A_55 = vector.broadcast %reduce_sum3A_54 : i1 to vector<16xi1>
      %reduce_sum3A_56 = tpu.scan <sum>, %scan3A_48#1 masked %reduce_sum3A_55 : vector<16xf32>, vector<16xi1> -> vector<16xf32>
      %reduce_sum3A_57 = vector.extract %reduce_sum3A_56[15] : f32 from vector<16xf32>
      %mul3A_58 = arith.constant 9.765625E-4 : f32
      %mul3A_59 = arith.mulf %reduce_sum3A_57, %mul3A_58 : f32
      %reduce_sum3A_60 = arith.constant true
      %reduce_sum3A_61 = vector.broadcast %reduce_sum3A_60 : i1 to vector<16xi1>
      %reduce_sum3A_62 = tpu.scan <sum>, %scan3A_48#2 masked %reduce_sum3A_61 : vector<16xf32>, vector<16xi1> -> vector<16xf32>
      %reduce_sum3A_63 = vector.extract %reduce_sum3A_62[15] : f32 from vector<16xf32>
      %mul3A_64 = arith.constant 9.765625E-4 : f32
      %mul3A_65 = arith.mulf %reduce_sum3A_63, %mul3A_64 : f32
      %broadcast_in_dim3A_66 = vector.broadcast %mul3A_53 : f32 to vector<16xf32>
      %broadcast_in_dim3A_67 = vector.broadcast %mul3A_59 : f32 to vector<16xf32>
      %broadcast_in_dim3A_68 = vector.broadcast %mul3A_65 : f32 to vector<16xf32>
      %scan3A_69 = arith.constant 0 : i32
      %scan3A_70 = arith.constant 64 : i32
      %scan3A_71 = arith.addi %scan3A_69, %scan3A_70 : i32
      %scan3A_72 = arith.constant 1 : i32
      %scan3A_73 = scf.for %scan3A_87 = %scan3A_69 to %scan3A_71 step %scan3A_72 iter_args(%scan3A_88 = %broadcast_in_dim3A_43) -> (vector<16xf32>)  : i32 {
        %mul3A_89 = arith.constant 16 : i32
        %mul3A_90 = arith.muli %scan3A_87, %mul3A_89 : i32
        %get3A = arith.constant 0 : i32
        %get3A_91 = arith.index_cast %get3A : i32 to index
        %get3A_92 = arith.index_cast %mul3A_90 : i32 to index
        %get3A_93 = tpu.vector_load %arg8[%get3A_91, %get3A_92] {strides = array<i32>} : memref<6x1024xf32, #tpu.memory_space<vmem>>, vector<16xf32>,
        %sub3A = arith.subf %get3A_93, %broadcast_in_dim3A_66 : vector<16xf32>
        %abs3A = math.absf %sub3A : vector<16xf32>
        %get3A_94 = arith.constant 1 : i32
        %get3A_95 = arith.index_cast %get3A_94 : i32 to index
        %get3A_96 = arith.index_cast %mul3A_90 : i32 to index
        %get3A_97 = tpu.vector_load %arg8[%get3A_95, %get3A_96] {strides = array<i32>} : memref<6x1024xf32, #tpu.memory_space<vmem>>, vector<16xf32>,
        %sub3A_98 = arith.subf %get3A_97, %broadcast_in_dim3A_67 : vector<16xf32>
        %abs3A_99 = math.absf %sub3A_98 : vector<16xf32>
        %get3A_100 = arith.constant 2 : i32
        %get3A_101 = arith.index_cast %get3A_100 : i32 to index
        %get3A_102 = arith.index_cast %mul3A_90 : i32 to index
        %get3A_103 = tpu.vector_load %arg8[%get3A_101, %get3A_102] {strides = array<i32>} : memref<6x1024xf32, #tpu.memory_space<vmem>>, vector<16xf32>,
        %sub3A_104 = arith.subf %get3A_103, %broadcast_in_dim3A_68 : vector<16xf32>
        %abs3A_105 = math.absf %sub3A_104 : vector<16xf32>
        %max3A_106 = arith.maximumf %abs3A, %abs3A_99 : vector<16xf32>
        %max3A_107 = arith.maximumf %max3A_106, %abs3A_105 : vector<16xf32>
        %max3A_108 = arith.maximumf %scan3A_88, %max3A_107 : vector<16xf32>
        scf.yield %max3A_108 : vector<16xf32>
      }
      %scan3A_74 = arith.constant 64 : i32
      %reduce_max3A = arith.constant true
      %reduce_max3A_75 = vector.broadcast %reduce_max3A : i1 to vector<16xi1>
      %reduce_max3A_76 = tpu.scan <max>, %scan3A_73 masked %reduce_max3A_75 : vector<16xf32>, vector<16xi1> -> vector<16xf32>
      %reduce_max3A_77 = vector.extract %reduce_max3A_76[15] : f32 from vector<16xf32>
      %max3A = arith.constant 9.99999997E-7 : f32
      %max3A_78 = arith.maximumf %reduce_max3A_77, %max3A : f32
      %broadcast_in_dim3A_79 = vector.broadcast %max3A_78 : f32 to vector<16xf32>
      %scan3A_80 = arith.constant 0 : i32
      %scan3A_81 = arith.constant 0 : i32
      %scan3A_82 = arith.constant 64 : i32
      %scan3A_83 = arith.addi %scan3A_81, %scan3A_82 : i32
      %scan3A_84 = arith.constant 1 : i32
      %scan3A_85 = scf.for %scan3A_87 = %scan3A_81 to %scan3A_83 step %scan3A_84 iter_args(%scan3A_88 = %scan3A_80) -> (i32)  : i32 {
        %mul3A_89 = arith.constant 16 : i32
        %mul3A_90 = arith.muli %scan3A_87, %mul3A_89 : i32
        %get3A = arith.constant 0 : i32
        %get3A_91 = arith.index_cast %get3A : i32 to index
        %get3A_92 = arith.index_cast %mul3A_90 : i32 to index
        %get3A_93 = tpu.vector_load %arg8[%get3A_91, %get3A_92] {strides = array<i32>} : memref<6x1024xf32, #tpu.memory_space<vmem>>, vector<16xf32>,
        %sub3A = arith.subf %get3A_93, %broadcast_in_dim3A_66 : vector<16xf32>
        %div3A = arith.divf %sub3A, %broadcast_in_dim3A_79 : vector<16xf32>
        %swap3A = arith.constant 0 : i32
        %swap3A_94 = arith.index_cast %swap3A : i32 to index
        %swap3A_95 = arith.index_cast %mul3A_90 : i32 to index
        %swap3A_96 = tpu.vector_load %arg8[%swap3A_94, %swap3A_95] {strides = array<i32>} : memref<6x1024xf32, #tpu.memory_space<vmem>>, vector<16xf32>,
        tpu.vector_store %arg8[%swap3A_94, %swap3A_95], %div3A {strides = array<i32>} : memref<6x1024xf32, #tpu.memory_space<vmem>>, vector<16xf32>,
        %get3A_97 = arith.constant 1 : i32
        %get3A_98 = arith.index_cast %get3A_97 : i32 to index
        %get3A_99 = arith.index_cast %mul3A_90 : i32 to index
        %get3A_100 = tpu.vector_load %arg8[%get3A_98, %get3A_99] {strides = array<i32>} : memref<6x1024xf32, #tpu.memory_space<vmem>>, vector<16xf32>,
        %sub3A_101 = arith.subf %get3A_100, %broadcast_in_dim3A_67 : vector<16xf32>
        %div3A_102 = arith.divf %sub3A_101, %broadcast_in_dim3A_79 : vector<16xf32>
        %swap3A_103 = arith.constant 1 : i32
        %swap3A_104 = arith.index_cast %swap3A_103 : i32 to index
        %swap3A_105 = arith.index_cast %mul3A_90 : i32 to index
        %swap3A_106 = tpu.vector_load %arg8[%swap3A_104, %swap3A_105] {strides = array<i32>} : memref<6x1024xf32, #tpu.memory_space<vmem>>, vector<16xf32>,
        tpu.vector_store %arg8[%swap3A_104, %swap3A_105], %div3A_102 {strides = array<i32>} : memref<6x1024xf32, #tpu.memory_space<vmem>>, vector<16xf32>,
        %get3A_107 = arith.constant 2 : i32
        %get3A_108 = arith.index_cast %get3A_107 : i32 to index
        %get3A_109 = arith.index_cast %mul3A_90 : i32 to index
        %get3A_110 = tpu.vector_load %arg8[%get3A_108, %get3A_109] {strides = array<i32>} : memref<6x1024xf32, #tpu.memory_space<vmem>>, vector<16xf32>,
        %sub3A_111 = arith.subf %get3A_110, %broadcast_in_dim3A_68 : vector<16xf32>
        %div3A_112 = arith.divf %sub3A_111, %broadcast_in_dim3A_79 : vector<16xf32>
        %swap3A_113 = arith.constant 2 : i32
        %swap3A_114 = arith.index_cast %swap3A_113 : i32 to index
        %swap3A_115 = arith.index_cast %mul3A_90 : i32 to index
        %swap3A_116 = tpu.vector_load %arg8[%swap3A_114, %swap3A_115] {strides = array<i32>} : memref<6x1024xf32, #tpu.memory_space<vmem>>, vector<16xf32>,
        tpu.vector_store %arg8[%swap3A_114, %swap3A_115], %div3A_112 {strides = array<i32>} : memref<6x1024xf32, #tpu.memory_space<vmem>>, vector<16xf32>,
        %scan3A_117 = arith.constant 0 : i32
        scf.yield %scan3A_117 : i32
      }
      %scan3A_86 = arith.constant 64 : i32
      "tpu.region"() ({
        %run_scoped3A = tpu.sem_alloc : memref<!tpu.dma_semaphore, #tpu.memory_space<semaphore_mem>>
        %dma_start3A = arith.constant 0 : i32
        %dma_start3A_87 = arith.constant 0 : i32
        %dma_start3A_88 = tpu.memref_slice %arg4[%arg1, %dma_start3A, %dma_start3A_87] : memref<16x6x1024xf32, #tpu.memory_space<hbm>> -> memref<1x6x1024xf32, #tpu.memory_space<hbm>>
        %dma_start3A_89 = tpu.memref_squeeze %dma_start3A_88 : memref<1x6x1024xf32, #tpu.memory_space<hbm>> -> memref<6x1024xf32, #tpu.memory_space<hbm>>
        %dma_start3A_90 = arith.constant 0 : i32
        %dma_start3A_91 = arith.constant 0 : i32
        %dma_start3A_92 = tpu.memref_slice %arg4[%arg1, %dma_start3A_90, %dma_start3A_91] : memref<16x6x1024xf32, #tpu.memory_space<hbm>> -> memref<1x6x1024xf32, #tpu.memory_space<hbm>>
        %dma_start3A_93 = tpu.memref_squeeze %dma_start3A_92 : memref<1x6x1024xf32, #tpu.memory_space<hbm>> -> memref<6x1024xf32, #tpu.memory_space<hbm>>
        tpu.enqueue_dma source(%arg8 : memref<6x1024xf32, #tpu.memory_space<vmem>>) target(%dma_start3A_93 : memref<6x1024xf32, #tpu.memory_space<hbm>>) target_semaphore(%run_scoped3A : memref<!tpu.dma_semaphore, #tpu.memory_space<semaphore_mem>>)
        %dma_wait3A = arith.constant 0 : i32
        %dma_wait3A_94 = arith.constant 0 : i32
        %dma_wait3A_95 = tpu.memref_slice %arg4[%arg1, %dma_wait3A, %dma_wait3A_94] : memref<16x6x1024xf32, #tpu.memory_space<hbm>> -> memref<1x6x1024xf32, #tpu.memory_space<hbm>>
        %dma_wait3A_96 = tpu.memref_squeeze %dma_wait3A_95 : memref<1x6x1024xf32, #tpu.memory_space<hbm>> -> memref<6x1024xf32, #tpu.memory_space<hbm>>
        %dma_wait3A_97 = arith.constant 0 : i32
        %dma_wait3A_98 = arith.constant 0 : i32
        %dma_wait3A_99 = tpu.memref_slice %arg4[%arg1, %dma_wait3A_97, %dma_wait3A_98] : memref<16x6x1024xf32, #tpu.memory_space<hbm>> -> memref<1x6x1024xf32, #tpu.memory_space<hbm>>
        %dma_wait3A_100 = tpu.memref_squeeze %dma_wait3A_99 : memref<1x6x1024xf32, #tpu.memory_space<hbm>> -> memref<6x1024xf32, #tpu.memory_space<hbm>>
        tpu.wait_dma2 semaphore(%run_scoped3A : memref<!tpu.dma_semaphore, #tpu.memory_space<semaphore_mem>>) src(%arg8 : memref<6x1024xf32, #tpu.memory_space<vmem>>) dst(%dma_wait3A_100 : memref<6x1024xf32, #tpu.memory_space<hbm>>)
        tpu.yield
      }) : () -> ()
    } else {
    }
    return
  }
}

</mosaic_0001>

<sc_bundles>
// kernel: kernel.3.cloned.1.call-start
scs
__scs_entry_jumppad:
0x0: {  	(pc) =	sbr.rel $0x88, $3  }
0x1: {  	(tag) =	ssettag $0x0;
	lr =	simm.s32 $0x1  }
0x2: {  	[smem:$0x3FA0] =	sst lr;
	_ =	strace $0xD0000000  }
0x3: {  	_ = 	snop  }
0x4: {  	_ = 	snop  }
0x5: {  	_ = 	snop  }
0x6: {  	_ = 	snop  }
0x7: {  	_ = 	snop  }
__scs_overlays_trampoline_lowered:
0x8: {  	[smem:$0x3FAF] =	sst s0  }
0x9: {  	[smem:$0x3FB0] =	sst s1  }
0xa: {  	[smem:$0x3FB1] =	sst s2  }
0xb: {  	[smem:$0x3FB2] =	sst s3  }
0xc: {  	[smem:$0x3FB3] =	sst s4  }
0xd: {  	[smem:$0x3FB4] =	sst s5  }
0xe: {  	[smem:$0x3FB5] =	sst s6  }
0xf: {  	[smem:$0x3FB6] =	sst s7  }
0x10: {  	[smem:$0x3FB7] =	sst s8  }
0x11: {  	[smem:$0x3FB8] =	sst s9;
	s0 =	simm.s32 @!p0 $0x0  }
0x12: {  	s1 =	sld [smem:$0x3F9E];
	s0 =	simm.s32 @p0 $0x1  }
0x13: {  	[smem:$0x3FB9] =	sst s0;
	s0 =	simm.s32 @!p1 $0x0  }
0x14: {  	s2 =	sld [smem:$0x3F9D];
	s0 =	simm.s32 @p1 $0x1  }
0x15: {  	[smem:$0x3FBA] =	sst s0;
	s0 =	simm.s32 @!p2 $0x0  }
0x16: {  	s3 =	sld [smem:$0x3FDB];
	s0 =	simm.s32 @p2 $0x1  }
0x17: {  	s4 =	simm.s32 $0x1BF5;
	[smem:$0x3FBC] =	sst s0  }
0x18: {  	s0 =	sld [smem:$0x3F9F];
	_ =	swait.ge [sflag:s4], $0x0  }
0x19: {  	s7 =	sld [smem:$0x3FA0]  }
0x1a: {  	s8 =	sadd.s32 $0xFFFFE003, lr  }
0x1b: {  	s9 =	sadd.s32 $0xFFFFFEF7, lr;
	s5 =	simm.s32 $0xFFFFFFFF;
	p2 =	slt.u32 s8, $0xFFFFF086  }
0x1c: {  	p1 =	slt.u32 s9, $0xF7A;
	s5 =	simm.s32 @!p2 $0x0  }
0x1d: {  	s5 =	simm.s32 @p1 $0x1;
	p0 =	seq.s32 s7, s2  }
0x1e: {  	s7 =	smul.u32 @!p0 $0xF7A, s2;
	p2 =	seq.s32 @!p0 s5, $0x0  }
0x1f: {  	s9 =	smul.u32 $0xF7A, s1;
	s8 =	simm.s32 @!p0 $0x1BF5;
	p2 =	por !p2, p0  }
0x20: {  	[sflag:s8] =	ssyncset.s32 @!p0 $0xFFFFF086;
	s6 =	sadd.s32 @!p0 s3, s7;
	s7 =	simm.s32 @!p0 $0x108  }
0x21: {  	s3 =	sadd.s32 s3, s9;
	s6 =	sadd.s32 @!p0 $0x88, s6;
	s7 =	simm.s32 @p2 $0x1082  }
0x22: {  	[simem:s7], [sflag:s8] =	dma.local @!p0 [hbm:s6], $0xF7A  }
0x23: {  	s9 =	sor.u32 $0xD0000000, s2;
	s6 =	simm.s32 $0x108;
	_ =	swait.ge @!p0 [sflag:s8], $0x0  }
0x24: {  	s3 =	sadd.s32 $0x88, s3;
	s6 =	simm.s32 @!p1 $0x1082;
	[sflag:s4] =	ssyncset.s32 $0xFFFFF086  }
0x25: {  	[simem:s6], [sflag:s4] =	dma.local [hbm:s3], $0xF7A  }
0x26: {  	[smem:$0x3FA0] =	sst s1;
	(tag) =	ssettag s2;
	_ =	strace s9  }
0x27: {  	s1 =	sld [smem:$0x3FB0]  }
0x28: {  	s2 =	sld [smem:$0x3FB1]  }
0x29: {  	s4 =	sld [smem:$0x3FB3]  }
0x2a: {  	p0 =	seq.s32 s5, $0x0;
	s5 =	sld [smem:$0x3FB4]  }
0x2b: {  	s6 =	sld [smem:$0x3FB5]  }
0x2c: {  	s7 =	sld [smem:$0x3FB6]  }
0x2d: {  	s3 =	simm.s32 $0x108;
	s8 =	sld [smem:$0x3FB7]  }
0x2e: {  	s3 =	simm.s32 @!p0 $0x1082;
	s9 =	sld [smem:$0x3FB8]  }
0x2f: {  	lr =	sadd.s32 s0, s3;
	s0 =	sld [smem:$0x3FAF]  }
0x30: {  	s3 =	sld [smem:$0x3FB2]  }
0x31: {  	[smem:$0x3FBB] =	sst s10  }
0x32: {  	s10 =	sld [smem:$0x3FB9];
	_ =	sdelay $0x3  }
0x33: {  	p0 =	seq.s32 s10, $0x1;
	s10 =	sld [smem:$0x3FBB];
	_ =	sdelay $0x3  }
0x34: {  	[smem:$0x3FBB] =	sst s10  }
0x35: {  	s10 =	sld [smem:$0x3FBA];
	_ =	sdelay $0x3  }
0x36: {  	p1 =	seq.s32 s10, $0x1;
	s10 =	sld [smem:$0x3FBB];
	_ =	sdelay $0x3  }
0x37: {  	[smem:$0x3FBB] =	sst s10  }
0x38: {  	s10 =	sld [smem:$0x3FBC]  }
0x39: {  	_ = 	snop;
	(pc) =	sbr.ind lr, $3  }
0x3a: {  	_ = 	snop  }
0x3b: {  	_ = 	snop  }
0x3c: {  	p2 =	seq.s32 s10, $0x1;
	s10 =	sld [smem:$0x3FBB]  }
0x3d: {  	_ =	shalt  }
0x3e: {  	_ =	shalt  }
0x3f: {  	_ =	shalt  }
0x40: {  	_ =	shalt  }
0x41: {  	_ =	shalt  }
0x42: {  	_ =	shalt  }
0x43: {  	_ =	shalt  }
0x44: {  	_ =	shalt  }
0x45: {  	_ =	shalt  }
0x46: {  	_ =	shalt  }
0x47: {  	_ =	shalt  }
0x48: {  	_ =	shalt  }
0x49: {  	_ =	shalt  }
0x4a: {  	_ =	shalt  }
0x4b: {  	_ =	shalt  }
0x4c: {  	_ =	shalt  }
0x4d: {  	_ =	shalt  }
0x4e: {  	_ =	shalt  }
0x4f: {  	_ =	shalt  }
0x50: {  	_ =	shalt  }
0x51: {  	_ =	shalt  }
0x52: {  	_ =	shalt  }
0x53: {  	_ =	shalt  }
0x54: {  	_ =	shalt  }
0x55: {  	_ =	shalt  }
0x56: {  	_ =	shalt  }
0x57: {  	_ =	shalt  }
0x58: {  	_ =	shalt  }
0x59: {  	_ =	shalt  }
0x5a: {  	_ =	shalt  }
0x5b: {  	_ =	shalt  }
0x5c: {  	_ =	shalt  }
0x5d: {  	_ =	shalt  }
0x5e: {  	_ =	shalt  }
0x5f: {  	_ =	shalt  }
0x60: {  	_ =	shalt  }
0x61: {  	_ =	shalt  }
0x62: {  	_ =	shalt  }
0x63: {  	_ =	shalt  }
0x64: {  	_ =	shalt  }
0x65: {  	_ =	shalt  }
0x66: {  	_ =	shalt  }
0x67: {  	_ =	shalt  }
0x68: {  	_ =	shalt  }
0x69: {  	_ =	shalt  }
0x6a: {  	_ =	shalt  }
0x6b: {  	_ =	shalt  }
0x6c: {  	_ =	shalt  }
0x6d: {  	_ =	shalt  }
0x6e: {  	_ =	shalt  }
0x6f: {  	_ =	shalt  }
0x70: {  	_ =	shalt  }
0x71: {  	_ =	shalt  }
0x72: {  	_ =	shalt  }
0x73: {  	_ =	shalt  }
0x74: {  	_ =	shalt  }
0x75: {  	_ =	shalt  }
0x76: {  	_ =	shalt  }
0x77: {  	_ =	shalt  }
0x78: {  	_ =	shalt  }
0x79: {  	_ =	shalt  }
0x7a: {  	_ =	shalt  }
0x7b: {  	_ =	shalt  }
0x7c: {  	_ =	shalt  }
0x7d: {  	_ =	shalt  }
0x7e: {  	_ =	shalt  }
0x7f: {  	_ =	shalt  }
0x80: {  	_ =	shalt  }
0x81: {  	_ =	shalt  }
0x82: {  	_ =	shalt  }
0x83: {  	_ =	shalt  }
0x84: {  	_ =	shalt  }
0x85: {  	_ =	shalt  }
0x86: {  	_ =	shalt  }
0x87: {  	_ =	shalt  }
.Lfunc_end0:
.L_simem_size_0:
called_computation_lowered:
.L_overlay_start_0:
0x88: {  	s2 =	sld [smem:$0x3FD9]  }
0x89: {  	s3 =	sld [smem:$0x3FFE];
	_ =	sdelay $0x1  }
0x8a: {  	s1 =	srdreg.scid  }
0x8b: {  	s0 =	sand.u32 $0x1, s1  }
0x8c: {  	s16 =	sshll.u32 s0, $0xA;
	s2 =	sadd.s32 s3, s2  }
0x8d: {  	s2 =	sadd.s32 s2, s16  }
0x8e: {  	[smem:$0x3FC7] =	sst s2  }
0x8f: {  	_ = 	snop  }
0x90: {  	(tm) =	ssettm $0x1  }
0x91: {  	s17 =	sld [smem:$0x3FFB];
	_ =	sdelay $0x3  }
0x92: {  	_ =	strace s17  }
0x93: {  	s2 =	sld [smem:$0x3FFC];
	_ =	sdelay $0x3  }
0x94: {  	_ =	strace s2  }
0x95: {  	s2 =	sld [smem:$0x3FFD];
	_ =	sdelay $0x3  }
0x96: {  	_ =	strace s2  }
0x97: {  	_ =	strace $0x8FFFFFFF  }
0x98: {  	s18 =	sld [smem:$0x3FDB];
	_ =	sdelay $0x1  }
0x99: {  	s19 =	simm.s32 $_scs_section_size  }
0x9a: {  	s4 =	simm.s32 $_size__tile_overlayer_lowered;
	s5 =	simm.s32 $_tile_overlayer_lowered  }
0x9b: {  	s22 =	simm.s32 $0x1BFF;
	s21 =	sshll.u32 s5, $0x1;
	s2 =	sadd.s32 s19, s18  }
0x9c: {  	s6 =	simm.s32 $0x0;
	s20 =	sshll.u32 s4, $0x1;
	s4 =	sadd.s32 s21, s2  }
0x9d: {  	[timem:s6], [sflag:s22] =	dma.local [hbm:s4], s20  }
0x9e: {  	_ =	swait.ge [sflag:s22], s20  }
0x9f: {  	s3 =	ssub.s32 $0x0, s20;
	[sflag:s22] =	ssyncset.done $0x0  }
0xa0: {  	[sflag:s22] =	ssyncadd.s32 s3;
	_ =	sdelay $0x1  }
0xa1: {  	s23 =	simm.s32 $0x1B8B  }
0xa2: {  	_ =	swait.ge [sflag:s23], $0x1  }
0xa3: {  	[sflag:s23] =	ssyncset.done $0x0  }
0xa4: {  	s25 =	simm.s32 $0x1B8E;
	s24 =	sld [smem:$0x3FFE];
	[sflag:s23] =	ssyncadd.s32 $0xFFFFFFFF  }
0xa5: {  	s26 =	simm.s32 $execute0_lowered;
	[smem:$0x3FD2] =	sst s25  }
0xa6: {  	s4 =	sshll.u32 s26, $0x1;
	_ =	strace $0x80000046;
	[dreg:$0x1] =	wrdreg $0xFFFFFFFF  }
0xa7: {  	s28 =	simm.s32 $_size_execute0_lowered;
	s2 =	sadd.s32 s2, s4;
	[dreg:$0x0] =	wrdreg $0x0  }
0xa8: {  	s4 =	sshll.u32 s28, $0x1;
	[dreg:$0x2] =	wrdreg s2  }
0xa9: {  	[dreg:$0x3] =	wrdreg s4  }
0xaa: {  	[dreg:$0x4] =	wrdreg $0xC0  }
0xab: {  	_ =	task [dreg:s6], $0x5FFFF  }
0xac: {  	[dreg:$0x1] =	wrdreg $0xFFFFFFFF  }
0xad: {  	[dreg:$0x0] =	wrdreg $0x60  }
0xae: {  	[dreg:$0x2] =	wrdreg s24  }
0xaf: {  	[dreg:$0x3] =	wrdreg $0x9  }
0xb0: {  	_ =	task.clear_ibuf [dreg:s6], $0x4FFFF;
	_ =	strace $0x90000046  }
0xb1: {  	s29 =	simm.s32 $0x9;
	_ =	strace $0x80000048  }
0xb2: {  	_ =	swait.ge [sflag:s29], $0x1  }
0xb3: {  	[sflag:s29] =	ssyncadd.s32 $0xFFFFFFFF  }
0xb4: {  	_ =	strace $0x90000048  }
0xb5: {  	_ =	sfence  }
0xb6: {  	s30 =	sld [smem:$0x0];
	_ =	sdelay $0x2  }
0xb7: {  	s31 =	sshll.u32 s1, $0xD;
	s1 =	sshrl.u32 s1, $0x2  }
0xb8: {  	s3 =	sand.u32 $0x4000, s31;
	s1 =	sadd.s32 s1, s30  }
0xb9: {  	s0 =	sor.u32 s3, s0;
	s1 =	sshll.u32 s1, $0x11  }
0xba: {  	s0 =	sor.u32 s1, s0  }
0xbb: {  	s0 =	sadd.s32 $0x8F2B, s0  }
0xbc: {  	[sflag:s0] =	ssyncadd.remote.s32 $0x1  }
0xbd: {  	_ =	sfence.sel $0xFFFF  }
0xbe: {  	[dreg:$0x0] =	wrdreg $0xFFFFFFFF;
	(pc) =	sbr.abs _section_cstart, $3  }
0xbf: {  	[dreg:$0x1] =	wrdreg $0xFFFFFFFF  }
0xc0: {  	_ =	task.clear_ibuf [dreg:s6], $0x2FFFF;
	_ =	strace $0x9FFFFFFF  }
0xc1: {  	(tm) =	ssettm $0x7FFFFFFF  }
tec
execute0_lowered:
.L_overlay_start_1:
0x0: {  	(tag) =	ssettag $0x1  }
0x1: {  	s1 =	srdreg.scid  }
0x2: {  	s1 =	sand.u32 $0x1, s1  }
0x3: {  	p0 =	seq.s32 s1, $0x1  }
.Ltmp0:
0x4: {  	_ = 	snop;
	(pc) =	sbr.rel @p0 .LBB2_16-.Ltmp0, $4  }
0x5: {  	_ = 	snop  }
0x6: {  	s2 =	rddreg [dreg:$0x0];
	s3 =	simm.s32 $0x0  }
0x7: {  	[smem:$0x7FF] =	sst s3  }
0x8: {  	s0 =	rddreg [dreg:$0x1];
	_ =	strace $0x80000047;
	s1 =	stileid.u32  }
0x9: {  	s4 =	sadd.s32 $0x20800, s2;
	s5 =	sshll.u32 s1, $0xD  }
0xa: {  	s29 =	sshll.u32 s1, $0xA;
	s30 =	simm.s32 $0x1;
	s4 =	sadd.s32 s4, s5  }
0xb: {  	[tilespmem:s3], [sflag:$0x1] =	stream.linear.gather [hbm4b:s4+s3], $0x10000, $0x38;
	[tilespmem:$0x16400] =	vst v63  }
0xc: {  	s6 =	simm.s32 $0x0;
	s5 =	sadd.s32 s5, s2;
	_ =	swait.ge [sflag:s30], $0x10000  }
0xd: {  	s31 =	sadd.s32 s29, s2;
	s3 =	sadd.s32 $0x800, s5;
	[sflag:s30] =	ssyncset.done $0x0  }
0xe: {  	v0 =	vimm.f32 $1.000000000e+10;
	s2 =	sadd.s32 $0x40800, s31;
	s4 =	simm.s32 $0x40;
	[sflag:s30] =	ssyncadd.s32 $0xFFFF0000  }
.LBB2_2:
0xf: {  	p0 =	sne.s32 s4, $0xFFC0;
	[tilespmem:s6+$0x10000] =	vst v0;
	s5 =	smov.u32 s4;
	s4 =	sadd.s32 $0x40, s4  }
.Ltmp1:
0x10: {  	(pc) =	sbr.rel @p0 .LBB2_2-.Ltmp1, $2  }
0x11: {  	_ =	sdelay $0x2  }
0x12: {  	s6 =	sshra.s32 s5, $0x2  }
0x13: {  	s4 =	simm.s32 $0x1;
	s5 =	simm.s32 $0x0  }
0x14: {  	[tilespmem:s6+$0x10000] =	vst v0;
	s6 =	simm.s32 $0x14000;
	s7 =	simm.s32 $0x14400;
	v0 =	vlaneseq.u32;
	s8 =	simm.s32 $0x0  }
.LBB2_4:
0x15: {  	v1 =	vmov s8  }
0x16: {  	s26 =	sadd.s32 $0xFFFFFFFF, s4;
	v2 =	vshll.u32 v1, $0x2  }
0x17: {  	v3 =	vmov s26;
	v4 =	vand.u32 $0x7F, v1;
	v2 =	vand.u32 $0xFFFFFE00, v2  }
0x18: {  	v2 =	vor.u32 v4, v2  }
0x19: {  	v4 =	vor.u32 $0x80, v2  }
0x1a: {  	v5 =	vor.u32 $0x100, v2  }
0x1b: {  	v6 =	vshll.u32 v3, $0x3  }
0x1c: {  	v7 =	vand.u32 $0x7F, v3;
	[tilespmem:v3+s6+$0x0] =	vst.idx.msk $0x1, v1;
	v3 =	vand.u32 $0xFFFFFC00, v6  }
0x1d: {  	v6 =	vor.u32 v7, v3;
	v1 =	vld.idx.msk [tilespmem:v2+s5+$0x0], $0xffff  }
0x1e: {  	v2 =	vld.idx.msk [tilespmem:v4+s5+$0x0], $0xffff;
	v4 =	vor.u32 $0x80, v6  }
0x1f: {  	v3 =	vld.idx.msk [tilespmem:v5+s5+$0x0], $0xffff;
	v5 =	vor.u32 $0x100, v6;
	_ =	sdelay $0x2  }
0x20: {  	[tilespmem:v6+s7+$0x0] =	vst.idx.msk $0x1, v1  }
0x21: {  	[tilespmem:v4+s7+$0x0] =	vst.idx.msk $0x1, v2  }
0x22: {  	s28 =	simm.s32 $0xC0;
	[tilespmem:v5+s7+$0x0] =	vst.idx.msk $0x1, v3  }
0x23: {  	v4 =	vld [tilespmem:s28+$0x30]  }
0x24: {  	v5 =	vld [tilespmem:s28+$0x20]  }
0x25: {  	v6 =	vld [tilespmem:s28+$0xFFFFFFB0]  }
0x26: {  	v7 =	vld [tilespmem:s28+$0xB0]  }
0x27: {  	v8 =	vld [tilespmem:s28+$0x10]  }
0x28: {  	v9 =	vld [tilespmem:s28+$0xFFFFFFA0]  }
0x29: {  	v10 =	vld [tilespmem:s28+$0xA0]  }
0x2a: {  	v11 =	vld [tilespmem:s28+$0x0]  }
0x2b: {  	v12 =	vld [tilespmem:s28+$0xFFFFFF90]  }
0x2c: {  	v13 =	vld [tilespmem:s28+$0x90]  }
0x2d: {  	v14 =	vld [tilespmem:s28+$0xFFFFFFF0]  }
0x2e: {  	v15 =	vld [tilespmem:s28+$0xFFFFFF80]  }
0x2f: {  	v16 =	vld [tilespmem:s28+$0x80];
	v17 =	vsub.f32 v5, v2  }
0x30: {  	v23 =	vimm.f32 $-1.000000000e+00;
	v19 =	vld [tilespmem:s28+$0xFFFFFFE0];
	v18 =	vsub.f32 v4, v2;
	v20 =	vsub.f32 v6, v1  }
0x31: {  	v25 =	vimm.s32 $0x0;
	s31 =	simm.s32 $0x0;
	v21 =	vld [tilespmem:s28+$0xFFFFFF70];
	v22 =	vsub.f32 v8, v2;
	v24 =	vsub.f32 v7, v3  }
0x32: {  	s9 =	simm.s32 $0x40;
	v36 =	vor.u32 s31, v0;
	v32 =	vld [tilespmem:s28+$0xFFFFFF40];
	v26 =	vsub.f32 v9, v1;
	v27 =	vsub.f32 v10, v3  }
0x33: {  	s10 =	simm.s32 $0x30;
	v35 =	vld [tilespmem:s28+$0x40];
	v4 =	vor.u32 s9, v0;
	v28 =	vsub.f32 v11, v2;
	v12 =	vsub.f32 v12, v1  }
0x34: {  	s29 =	simm.s32 $0x20;
	v29 =	vld [tilespmem:s28+$0xFFFFFFC0];
	v5 =	vor.u32 s10, v0;
	v30 =	vsub.f32 v14, v2;
	v31 =	vsub.f32 v13, v3  }
0x35: {  	v7 =	vld [tilespmem:s28+$0xFFFFFFD0];
	v6 =	vor.u32 s29, v0;
	v33 =	vsub.f32 v15, v1;
	v34 =	vsub.f32 v16, v3  }
0x36: {  	v10 =	vld [tilespmem:s28+$0xFFFFFF60];
	v37 =	vsub.f32 v19, v2;
	v9 =	vmul.f32 v17, v17;
	v11 =	vmul.f32 v24, v24  }
0x37: {  	v38 =	vsub.f32 v21, v1;
	v21 =	vld [tilespmem:s28+$0xFFFFFF50];
	v13 =	vmul.f32 v22, v22;
	v14 =	vmul.f32 v26, v26  }
0x38: {  	v17 =	vld [tilespmem:s28+$0x50];
	v22 =	vsub.f32 v32, v1;
	v16 =	vmul.f32 v28, v28;
	v26 =	vsub.f32 v35, v3  }
0x39: {  	s30 =	simm.s32 $0x10;
	v24 =	vsub.f32 v29, v2;
	v29 =	vld [tilespmem:s28+$0x60];
	v15 =	vmul.f32 v27, v27;
	v19 =	vmul.f32 v31, v31  }
0x3a: {  	v8 =	vor.u32 s30, v0;
	v27 =	vld [tilespmem:s28+$0x70];
	v22 =	vmul.f32 v22, v22;
	v26 =	vmul.f32 v26, v26  }
0x3b: {  	v24 =	vmul.f32 v24, v24;
	v39 =	vsub.f32 v7, v2;
	v7 =	vmul.f32 v18, v18  }
0x3c: {  	s8 =	simm.s32 $0x10040;
	v40 =	vsub.f32 v10, v1;
	v10 =	vmul.f32 v20, v20;
	v18 =	vmul.f32 v12, v12  }
0x3d: {  	v28 =	vld [tilespmem:s8+$0xFFFFFFC0];
	v12 =	vsub.f32 v21, v1;
	v20 =	vmul.f32 v30, v30;
	v17 =	vsub.f32 v17, v3  }
0x3e: {  	v30 =	vmul.f32 v37, v37;
	v22 =	vadd.f32 v26, v22;
	v29 =	vsub.f32 v29, v3  }
0x3f: {  	v61 =	vld [tilespmem:s8+$0xFFFFFFD0];
	v26 =	vmul.f32 v12, v12;
	v27 =	vsub.f32 v27, v3;
	v17 =	vmul.f32 v17, v17  }
0x40: {  	v12 =	vld [tilespmem:s8+$0x30];
	v31 =	vmul.f32 v40, v40;
	v22 =	vadd.f32 v22, v24;
	v29 =	vmul.f32 v29, v29  }
0x41: {  	v62 =	vmul.f32 v39, v39;
	v24 =	vld [tilespmem:s8+$0xFFFFFFE0];
	v27 =	vmul.f32 v27, v27;
	v26 =	vadd.f32 v17, v26  }
0x42: {  	v63 =	vmin.f32 v28, v22;
	v22 =	vld [tilespmem:s8+$0x10];
	v29 =	vadd.f32 v29, v31;
	v31 =	vmul.f32 v38, v38  }
0x43: {  	v21 =	vmul.f32 v33, v33;
	v28 =	vmul.f32 v34, v34;
	v17 =	vld [tilespmem:s8+$0x20];
	v33 =	vadd.f32 v26, v62  }
0x44: {  	vm0 =	vgt.f32 v63, v23;
	v29 =	vadd.f32 v29, v30;
	v30 =	vadd.f32 v27, v31;
	v27 =	vld [tilespmem:s8+$0xFFFFFFF0]  }
0x45: {  	s11 =	simm.s32 $0x2C0;
	s9 =	simm.s32 $0x70;
	s10 =	simm.s32 $0x0;
	[tilespmem:s8+$0xFFFFFFC0] =	vst v63;
	v31 =	vsel vm0, v63, v23;
	v26 =	vsel vm0, v36, v25;
	v25 =	vld [tilespmem:s8+$0x0];
	v23 =	vmin.f32 v61, v33  }
.LBB2_5:
0x46: {  	v32 =	vld [tilespmem:s11+$0x30];
	[tilespmem:s8+$0xFFFFFFD0] =	vst v23;
	vm0 =	vgt.f32 v23, v31;
	v20 =	vadd.f32 v30, v20;
	v21 =	vadd.f32 v28, v21  }
0x47: {  	v28 =	vld [tilespmem:s11+$0x20];
	v23 =	vsel vm0, v23, v31;
	v8 =	vsel vm0, v8, v26;
	v24 =	vmin.f32 v24, v29  }
0x48: {  	v18 =	vadd.f32 v19, v18;
	v26 =	vld [tilespmem:s11+$0xFFFFFFB0];
	[tilespmem:s8+$0xFFFFFFE0] =	vst v24;
	vm0 =	vgt.f32 v24, v23;
	v16 =	vadd.f32 v21, v16  }
0x49: {  	v19 =	vld [tilespmem:s11+$0xB0];
	v21 =	vsel vm0, v24, v23;
	v6 =	vsel vm0, v6, v8;
	v8 =	vmin.f32 v27, v20  }
0x4a: {  	v14 =	vadd.f32 v15, v14;
	v13 =	vadd.f32 v18, v13;
	v20 =	vld [tilespmem:s11+$0x10];
	[tilespmem:s8+$0xFFFFFFF0] =	vst v8;
	vm0 =	vgt.f32 v8, v21  }
0x4b: {  	v15 =	vld [tilespmem:s11+$0xFFFFFFA0];
	v8 =	vsel vm0, v8, v21;
	v5 =	vsel vm0, v5, v6;
	v6 =	vmin.f32 v25, v16  }
0x4c: {  	v10 =	vadd.f32 v11, v10;
	v9 =	vadd.f32 v14, v9;
	v16 =	vld [tilespmem:s11+$0xA0];
	[tilespmem:s8+$0x0] =	vst v6;
	vm0 =	vgt.f32 v6, v8  }
0x4d: {  	s12 =	sadd.s32 $0xFFFFFFE0, s9;
	v11 =	vld [tilespmem:s11+$0x0];
	v6 =	vsel vm0, v6, v8;
	v4 =	vsel vm0, v4, v5;
	v5 =	vmin.f32 v22, v13  }
0x4e: {  	v7 =	vadd.f32 v10, v7;
	v13 =	vor.u32 s12, v0;
	v8 =	vld [tilespmem:s11+$0xFFFFFF90];
	[tilespmem:s8+$0x10] =	vst v5;
	vm0 =	vgt.f32 v5, v6  }
0x4f: {  	s12 =	sadd.s32 $0xFFFFFFF0, s9;
	v10 =	vld [tilespmem:s11+$0x90];
	v5 =	vsel vm0, v5, v6;
	v4 =	vsel vm0, v13, v4;
	v6 =	vmin.f32 v17, v9  }
0x50: {  	v14 =	vor.u32 s9, v0;
	v13 =	vor.u32 s12, v0;
	v9 =	vld [tilespmem:s11+$0xFFFFFFF0];
	[tilespmem:s8+$0x20] =	vst v6;
	vm0 =	vgt.f32 v6, v5  }
0x51: {  	v17 =	vld [tilespmem:s11+$0xFFFFFF80];
	v5 =	vsel vm0, v6, v5;
	v4 =	vsel vm0, v13, v4;
	v6 =	vmin.f32 v12, v7  }
0x52: {  	v12 =	vsub.f32 v28, v2;
	v13 =	vsub.f32 v32, v2;
	v7 =	vld [tilespmem:s11+$0x80];
	[tilespmem:s8+$0x30] =	vst v6;
	vm0 =	vgt.f32 v6, v5  }
0x53: {  	v21 =	vsub.f32 v26, v1;
	s9 =	sadd.s32 $0x80, s9;
	v18 =	vld [tilespmem:s11+$0xFFFFFFE0];
	v23 =	vsel vm0, v6, v5;
	v25 =	vsel vm0, v14, v4  }
0x54: {  	v19 =	vsub.f32 v19, v3;
	s12 =	sadd.s32 $0xFFFFFFD0, s9;
	v20 =	vsub.f32 v20, v2;
	v14 =	vld [tilespmem:s11+$0xFFFFFF70]  }
0x55: {  	s13 =	sadd.s32 $0xFFFFFFC0, s9;
	v15 =	vsub.f32 v15, v1;
	v24 =	vsub.f32 v16, v3;
	v4 =	vor.u32 s12, v0;
	v22 =	vld [tilespmem:s11+$0xFFFFFFD0]  }
0x56: {  	v26 =	vsub.f32 v11, v2;
	s12 =	sadd.s32 $0xFFFFFFB0, s9;
	v5 =	vor.u32 s13, v0;
	v27 =	vsub.f32 v8, v1;
	v16 =	vld [tilespmem:s11+$0xFFFFFF60]  }
0x57: {  	s13 =	sadd.s32 $0xFFFFFFA0, s9;
	v6 =	vor.u32 s12, v0;
	v30 =	vsub.f32 v10, v3;
	v29 =	vsub.f32 v9, v2;
	v28 =	vld [tilespmem:s11+$0xFFFFFFC0]  }
0x58: {  	s12 =	sadd.s32 $0xFFFFFF90, s9;
	v8 =	vor.u32 s13, v0;
	v17 =	vsub.f32 v17, v1;
	v32 =	vsub.f32 v7, v3;
	v31 =	vld [tilespmem:s11+$0xFFFFFF40]  }
0x59: {  	s10 =	sadd.s32 $0x8, s10;
	v34 =	vor.u32 s12, v0;
	v35 =	vsub.f32 v18, v2;
	v33 =	vld [tilespmem:s11+$0x40];
	v36 =	vsub.f32 v14, v1  }
0x5a: {  	p0 =	slt.u32 s10, $0x3F8;
	v9 =	vmul.f32 v12, v12;
	v7 =	vmul.f32 v13, v13;
	v37 =	vld [tilespmem:s11+$0xFFFFFF50];
	v22 =	vsub.f32 v22, v2  }
0x5b: {  	v11 =	vmul.f32 v19, v19;
	v10 =	vmul.f32 v21, v21;
	v12 =	vld [tilespmem:s11+$0x50];
	v38 =	vsub.f32 v16, v1  }
0x5c: {  	v13 =	vmul.f32 v20, v20;
	v14 =	vmul.f32 v15, v15;
	v28 =	vsub.f32 v28, v2;
	v39 =	vld [tilespmem:s11+$0x60]  }
0x5d: {  	v15 =	vmul.f32 v24, v24;
	v16 =	vmul.f32 v26, v26;
	v31 =	vsub.f32 v31, v1  }
0x5e: {  	v19 =	vmul.f32 v30, v30;
	v18 =	vmul.f32 v27, v27;
	v24 =	vsub.f32 v33, v3;
	v26 =	vld [tilespmem:s11+$0x70]  }
0x5f: {  	v20 =	vmul.f32 v29, v29;
	v21 =	vmul.f32 v17, v17;
	v27 =	vsub.f32 v37, v1  }
0x60: {  	s8 =	sadd.s32 $0x80, s8;
	v17 =	vmul.f32 v31, v31;
	v24 =	vmul.f32 v24, v24;
	v12 =	vsub.f32 v12, v3  }
0x61: {  	v28 =	vmul.f32 v28, v28;
	v31 =	vmul.f32 v35, v35;
	v29 =	vld [tilespmem:s8+$0xFFFFFFC0];
	v30 =	vsub.f32 v39, v3  }
0x62: {  	v17 =	vadd.f32 v24, v17;
	v24 =	vmul.f32 v27, v27;
	v27 =	vmul.f32 v12, v12;
	v12 =	vld [tilespmem:s8+$0x30]  }
0x63: {  	v35 =	vmul.f32 v38, v38;
	v33 =	vld [tilespmem:s8+$0xFFFFFFD0];
	v30 =	vmul.f32 v30, v30;
	v26 =	vsub.f32 v26, v3  }
.Ltmp2:
0x64: {  	v22 =	vmul.f32 v22, v22;
	v28 =	vadd.f32 v17, v28;
	v27 =	vadd.f32 v27, v24;
	v17 =	vld [tilespmem:s8+$0x20];
	(pc) =	sbr.rel @p0 .LBB2_5-.Ltmp2, $4  }
0x65: {  	v30 =	vadd.f32 v30, v35;
	v24 =	vld [tilespmem:s8+$0xFFFFFFE0];
	v35 =	vmul.f32 v36, v36;
	v26 =	vmul.f32 v26, v26  }
0x66: {  	v36 =	vmin.f32 v29, v28;
	v37 =	vadd.f32 v27, v22;
	v28 =	vmul.f32 v32, v32;
	v22 =	vld [tilespmem:s8+$0x10]  }
0x67: {  	[tilespmem:s8+$0xFFFFFFC0] =	vst v36;
	vm0 =	vgt.f32 v36, v23;
	v29 =	vadd.f32 v30, v31;
	v30 =	vadd.f32 v26, v35;
	v27 =	vld [tilespmem:s8+$0xFFFFFFF0]  }
0x68: {  	s11 =	sadd.s32 $0x200, s11;
	v31 =	vsel vm0, v36, v23;
	v26 =	vsel vm0, v34, v25;
	v23 =	vmin.f32 v33, v37;
	v25 =	vld [tilespmem:s8+$0x0]  }
0x69: {  	vm0 =	vgt.f32 v23, v31;
	v1 =	vadd.f32 v28, v21  }
0x6a: {  	v2 =	vadd.f32 v30, v20;
	v3 =	vsel vm0, v23, v31;
	v57 =	vmin.f32 v24, v29  }
0x6b: {  	v58 =	vadd.f32 v19, v18;
	vm1 =	vgt.f32 v57, v3  }
0x6c: {  	v1 =	vadd.f32 v1, v16;
	v3 =	vsel vm1, v57, v3;
	v2 =	vmin.f32 v27, v2  }
0x6d: {  	v14 =	vadd.f32 v15, v14;
	vm2 =	vgt.f32 v2, v3  }
0x6e: {  	v13 =	vadd.f32 v58, v13;
	v1 =	vmin.f32 v25, v1;
	v3 =	vsel vm2, v2, v3  }
0x6f: {  	v10 =	vadd.f32 v11, v10;
	vm3 =	vgt.f32 v1, v3  }
0x70: {  	v9 =	vadd.f32 v14, v9;
	v59 =	vmin.f32 v22, v13;
	v3 =	vsel vm3, v1, v3  }
0x71: {  	vm4 =	vgt.f32 v59, v3  }
0x72: {  	v7 =	vadd.f32 v10, v7;
	v9 =	vmin.f32 v17, v9;
	v3 =	vsel vm4, v59, v3  }
0x73: {  	vm5 =	vgt.f32 v9, v3  }
0x74: {  	v7 =	vmin.f32 v12, v7;
	v3 =	vsel vm5, v9, v3  }
0x75: {  	vm6 =	vgt.f32 v7, v3  }
0x76: {  	v3 =	vsel vm6, v7, v3  }
0x77: {  	(xrf0) =	vmax.scan.msk.f32 $0xffff, v3;
	_ =	sdelay $0x1  }
0x78: {  	v8 =	vsel vm0, v8, v26  }
0x79: {  	v6 =	vsel vm1, v6, v8  }
0x7a: {  	s10 =	sadd.s32 $0xFFFFFFE0, s9;
	v5 =	vsel vm2, v5, v6  }
0x7b: {  	s30 =	sadd.s32 $0xFFFFFFF0, s9;
	v60 =	vor.u32 s10, v0;
	v4 =	vsel vm3, v4, v5  }
0x7c: {  	v61 =	vor.u32 s30, v0;
	v4 =	vsel vm4, v60, v4;
	v62, _, _ =	vpop (xrf0)  }
0x7d: {  	v63 =	vor.u32 s9, v0;
	v4 =	vsel vm5, v61, v4;
	v6 =	vbroadcast v62, $0xF  }
0x7e: {  	v4 =	vsel vm6, v63, v4  }
0x7f: {  	vm15 =	veq.f32 v3, v6;
	v3 =	vxor.u32 $0x80000000, v4  }
0x80: {  	v3 =	vnsel vm15, $0x80004000, v3  }
0x81: {  	(xrf0) =	vmin.scan.msk.u32 $0xffff, v3;
	_ =	sdelay $0x5  }
0x82: {  	v3, _, _ =	vpop (xrf0)  }
0x83: {  	(v2sf) =	vpush v3, $0xF;
	_ =	sdelay $0x9  }
0x84: {  	[tilespmem:s8+$0xFFFFFFD0] =	vst v23;
	s4 =	sadd.s32 $0x1, s4  }
0x85: {  	p0 =	sne.s32 s4, $0x400;
	[tilespmem:s8+$0xFFFFFFE0] =	vst v57  }
.Ltmp3:
0x86: {  	[tilespmem:s8+$0xFFFFFFF0] =	vst v2;
	(pc) =	sbr.rel @p0 .LBB2_4-.Ltmp3, $4  }
0x87: {  	[tilespmem:s8+$0x0] =	vst v1  }
0x88: {  	[tilespmem:s8+$0x10] =	vst v59  }
0x89: {  	[tilespmem:s8+$0x20] =	vst v9;
	s31 =	spop (v2sf)  }
0x8a: {  	[tilespmem:s8+$0x30] =	vst v7;
	s8 =	sxor.u32 $0x80000000, s31  }
0x8b: {  	v0 =	vmov s8  }
0x8c: {  	v1 =	vshll.u32 v0, $0x2  }
0x8d: {  	v2 =	vimm.s32 $0x3FF;
	v3 =	vand.u32 $0x7F, v0;
	v1 =	vand.u32 $0xFFFFFE00, v1  }
0x8e: {  	v1 =	vor.u32 v3, v1  }
0x8f: {  	v3 =	vor.u32 $0x80, v1  }
0x90: {  	v4 =	vor.u32 $0x100, v1  }
0x91: {  	s5 =	simm.s32 $0x14000  }
0x92: {  	s4 =	simm.s32 $0x0;
	[tilespmem:v2+s5+$0x0] =	vst.idx.msk $0x1, v0  }
0x93: {  	v62 =	vimm.s32 $0x1C7F;
	v0 =	vld.idx.msk [tilespmem:v1+s4+$0x0], $0xffff  }
0x94: {  	v63 =	vimm.s32 $0x1CFF;
	v2 =	vld.idx.msk [tilespmem:v3+s4+$0x0], $0xffff  }
0x95: {  	v5 =	vimm.s32 $0x1D7F;
	v4 =	vld.idx.msk [tilespmem:v4+s4+$0x0], $0xffff;
	_ =	sdelay $0x1  }
0x96: {  	s6 =	simm.s32 $0x14400  }
0x97: {  	[tilespmem:v62+s6+$0x0] =	vst.idx.msk $0x1, v0  }
0x98: {  	[tilespmem:v63+s6+$0x0] =	vst.idx.msk $0x1, v2  }
0x99: {  	s31 =	simm.s32 $0x1;
	[tilespmem:v5+s6+$0x0] =	vst.idx.msk $0x1, v4  }
0x9a: {  	[tilespmem:s4], [sflag:$0x1] =	stream.linear.gather [hbm4b:s3+s4], $0x10000, $0x38;
	[tilespmem:$0x16400] =	vst v63  }
0x9b: {  	_ =	swait.ge [sflag:s31], $0x10000  }
0x9c: {  	[sflag:s31] =	ssyncset.done $0x0  }
0x9d: {  	s6 =	simm.s32 $0x0;
	s3 =	simm.s32 $0x0;
	[sflag:s31] =	ssyncadd.s32 $0xFFFF0000  }
.LBB2_8:
0x9e: {  	v0 =	vld [tilespmem:s5+$0x0];
	_ =	sdelay $0x4  }
0x9f: {  	v1 =	vshll.u32 v0, $0x2  }
0xa0: {  	v0 =	vand.u32 $0x7F, v0;
	v1 =	vand.u32 $0xFFFFFE00, v1  }
0xa1: {  	v0 =	vor.u32 v0, v1;
	_ =	sdelay $0x4  }
0xa2: {  	v1 =	vld.idx.msk [tilespmem:v0+s4+$0x0], $0xffff  }
0xa3: {  	v2 =	vor.u32 $0x80, v0  }
0xa4: {  	s7 =	sand.u32 $0x70, s6;
	s8 =	sand.u32 $0x1C00, s3  }
0xa5: {  	s7 =	sor.u32 s7, s8  }
0xa6: {  	s7 =	sadd.s32 $0x14400, s7  }
0xa7: {  	[tilespmem:s7+$0x180] =	vst v1  }
0xa8: {  	v1 =	vld.idx.msk [tilespmem:v2+s4+$0x0], $0xffff  }
0xa9: {  	v0 =	vor.u32 $0x100, v0;
	_ =	sdelay $0x3  }
0xaa: {  	[tilespmem:s7+$0x200] =	vst v1  }
0xab: {  	p0 =	sne.s32 s6, $0x3F0;
	v0 =	vld.idx.msk [tilespmem:v0+s4+$0x0], $0xffff  }
.Ltmp4:
0xac: {  	_ = 	snop;
	(pc) =	sbr.rel @p0 .LBB2_8-.Ltmp4, $2  }
0xad: {  	_ =	sdelay $0x2  }
0xae: {  	s3 =	sadd.s32 $0x80, s3;
	s5 =	sadd.s32 $0x10, s5;
	s6 =	sadd.s32 $0x10, s6;
	[tilespmem:s7+$0x280] =	vst v0  }
0xaf: {  	s3 =	sand.u32 $0x70, s4;
	s5 =	sand.u32 $0x1C00, s4  }
0xb0: {  	s3 =	sor.u32 s3, s5  }
0xb1: {  	s5 =	sadd.s32 $0x14400, s3;
	v3 =	vld [tilespmem:s3+$0x14400]  }
0xb2: {  	v0 =	vld [tilespmem:s5+$0x100]  }
0xb3: {  	v1 =	vimm.f32 $0.0e+00;
	v2 =	vimm.f32 $0.0e+00;
	v4 =	vimm.f32 $0.0e+00;
	s3 =	simm.s32 $0x10;
	v5 =	vld [tilespmem:s5+$0x80]  }
.LBB2_10:
0xb4: {  	s5 =	sand.u32 $0x70, s3;
	s4 =	sadd.s32 $0x80, s4;
	p0 =	sne.s32 s3, $0x3F0  }
.Ltmp5:
0xb5: {  	s3 =	sadd.s32 $0x10, s3;
	s6 =	sand.u32 $0x1C00, s4;
	(pc) =	sbr.rel @p0 .LBB2_10-.Ltmp5, $4  }
0xb6: {  	s5 =	sor.u32 s5, s6;
	v1 =	vadd.f32 v3, v1  }
0xb7: {  	s6 =	sadd.s32 $0x14400, s5;
	v3 =	vld [tilespmem:s5+$0x14400];
	v2 =	vadd.f32 v0, v2  }
0xb8: {  	v0 =	vld [tilespmem:s6+$0x100];
	v4 =	vadd.f32 v5, v4  }
0xb9: {  	v5 =	vld [tilespmem:s6+$0x80]  }
0xba: {  	_ =	sdelay $0x2  }
0xbb: {  	v1 =	vadd.f32 v3, v1  }
0xbc: {  	v3 =	vadd.f32 v5, v4  }
0xbd: {  	v0 =	vadd.f32 v0, v2;
	(xrf2) =	vadd.scan.msk.f32 $0xffff, v1  }
0xbe: {  	(xrf2) =	vadd.scan.msk.f32 $0xffff, v3  }
0xbf: {  	(xrf2) =	vadd.scan.msk.f32 $0xffff, v0;
	_ =	sdelay $0x7  }
0xc0: {  	v0, _, _ =	vpop (xrf2)  }
0xc1: {  	(v2sf) =	vpush v0, $0xF;
	v1, _, _ =	vpop (xrf2)  }
0xc2: {  	(v2sf) =	vpush v1, $0xF;
	v0, _, _ =	vpop (xrf2)  }
0xc3: {  	(v2sf) =	vpush v0, $0xF;
	_ =	sdelay $0x8  }
0xc4: {  	s3 =	simm.s32 $0x0  }
0xc5: {  	s4 =	sand.u32 $0x70, s3;
	s3 =	sand.u32 $0x1C00, s3  }
0xc6: {  	s3 =	sor.u32 s4, s3  }
0xc7: {  	s4 =	sadd.s32 $0x14400, s3;
	v2 =	vld [tilespmem:s3+$0x14400]  }
0xc8: {  	v3 =	vld [tilespmem:s4+$0x80];
	s28 =	spop (v2sf)  }
0xc9: {  	s7 =	simm.s32 $0x10;
	v6 =	vld [tilespmem:s4+$0x100];
	s6 =	smul.f32 $9.765625000e-04, s28;
	s5 =	spop (v2sf)  }
0xca: {  	s3 =	simm.s32 $0x80;
	s5 =	smul.f32 $9.765625000e-04, s5;
	s29 =	spop (v2sf)  }
0xcb: {  	s7 =	sand.u32 $0x70, s7;
	s8 =	sand.u32 $0x1C00, s3;
	s4 =	smul.f32 $9.765625000e-04, s29  }
0xcc: {  	s30 =	sor.u32 s7, s8;
	v0 =	vmov s6;
	v1 =	vmov s5  }
0xcd: {  	s31 =	sadd.s32 $0x14400, s30;
	v4 =	vld [tilespmem:s30+$0x14400];
	v8 =	vsub.f32 v2, v0;
	v9 =	vsub.f32 v3, v1;
	v2 =	vmov s4  }
0xce: {  	v5 =	vld [tilespmem:s31+$0x80];
	v7 =	vsub.f32 v6, v2  }
0xcf: {  	v3 =	vimm.f32 $0.0e+00;
	s4 =	simm.s32 $0x20;
	v8 =	vand.u32 $0x7FFFFFFF, v8;
	v6 =	vld [tilespmem:s31+$0x100];
	v9 =	vand.u32 $0x7FFFFFFF, v9  }
.LBB2_12:
0xd0: {  	s5 =	sand.u32 $0x70, s4;
	s3 =	sadd.s32 $0x80, s3;
	v7 =	vand.u32 $0x7FFFFFFF, v7;
	v8 =	vmax.f32 v8, v9;
	p0 =	sne.s32 s4, $0x3F0  }
.Ltmp6:
0xd1: {  	s4 =	sadd.s32 $0x10, s4;
	s6 =	sand.u32 $0x1C00, s3;
	v7 =	vmax.f32 v8, v7;
	(pc) =	sbr.rel @p0 .LBB2_12-.Ltmp6, $4  }
0xd2: {  	s5 =	sor.u32 s5, s6;
	v3 =	vmax.f32 v3, v7  }
0xd3: {  	v8 =	vsub.f32 v4, v0;
	s6 =	sadd.s32 $0x14400, s5;
	v4 =	vld [tilespmem:s5+$0x14400];
	v9 =	vsub.f32 v5, v1  }
0xd4: {  	v5 =	vld [tilespmem:s6+$0x80];
	v7 =	vsub.f32 v6, v2  }
0xd5: {  	v8 =	vand.u32 $0x7FFFFFFF, v8;
	v6 =	vld [tilespmem:s6+$0x100];
	v9 =	vand.u32 $0x7FFFFFFF, v9  }
0xd6: {  	_ =	sdelay $0x2  }
0xd7: {  	v4 =	vsub.f32 v4, v0;
	v5 =	vsub.f32 v5, v1  }
0xd8: {  	v7 =	vand.u32 $0x7FFFFFFF, v7;
	v6 =	vsub.f32 v6, v2  }
0xd9: {  	v8 =	vmax.f32 v8, v9;
	v4 =	vand.u32 $0x7FFFFFFF, v4;
	v5 =	vand.u32 $0x7FFFFFFF, v5  }
0xda: {  	v7 =	vmax.f32 v8, v7;
	v6 =	vand.u32 $0x7FFFFFFF, v6;
	v4 =	vmax.f32 v4, v5  }
0xdb: {  	v3 =	vmax.f32 v3, v7;
	v4 =	vmax.f32 v4, v6  }
0xdc: {  	v3 =	vmax.f32 v3, v4  }
0xdd: {  	(xrf0) =	vmax.scan.msk.f32 $0xffff, v3;
	_ =	sdelay $0x5  }
0xde: {  	v3, _, _ =	vpop (xrf0)  }
0xdf: {  	(v2sf) =	vpush v3, $0xF;
	_ =	sdelay $0xe  }
0xe0: {  	s3 =	spop (v2sf)  }
0xe1: {  	s3 =	smax.f32 s3, $9.999999970e-07  }
0xe2: {  	v3 =	vmov s3  }
0xe3: {  	s30 =	simm.s32 $0x0;
	(erf) = vrcp.f32 v3  }
0xe4: {  	s4 =	sand.u32 $0x70, s30;
	s3 =	sand.u32 $0x1C00, s30  }
0xe5: {  	s7 =	sor.u32 s4, s3  }
0xe6: {  	s3 =	sadd.s32 $0x14400, s7;
	v3 =	vld [tilespmem:s7+$0x14400]  }
0xe7: {  	v4 =	vld [tilespmem:s3+$0x80]  }
0xe8: {  	v5 =	vld [tilespmem:s3+$0x100];
	_ =	sdelay $0x2  }
0xe9: {  	v6 =	vsub.f32 v3, v0  }
0xea: {  	v4 =	vsub.f32 v4, v1;
	v3 =	vpop (erf)  }
0xeb: {  	s31 =	simm.s32 $0x10;
	s5 =	simm.s32 $0x80;
	v5 =	vsub.f32 v5, v2;
	v6 =	vmul.f32 v6, v3  }
0xec: {  	s6 =	sand.u32 $0x1C00, s5;
	s4 =	sand.u32 $0x70, s31;
	v4 =	vmul.f32 v4, v3  }
0xed: {  	s4 =	sor.u32 s4, s6;
	s6 =	simm.s32 $0x20;
	v5 =	vmul.f32 v5, v3;
	[tilespmem:s7+$0x14400] =	vst v6  }
.LBB2_14:
0xee: {  	p0 =	sne.s32 s6, $0x3F0;
	s7 =	sadd.s32 $0x14400, s4;
	v6 =	vld [tilespmem:s4+$0x14400];
	[tilespmem:s3+$0x80] =	vst v4  }
0xef: {  	v4 =	vld [tilespmem:s7+$0x80];
	[tilespmem:s3+$0x100] =	vst v5;
	s3 =	smov.u32 s7  }
0xf0: {  	v5 =	vld [tilespmem:s3+$0x100];
	_ =	sdelay $0x2  }
.Ltmp7:
0xf1: {  	v6 =	vsub.f32 v6, v0;
	(pc) =	sbr.rel @p0 .LBB2_14-.Ltmp7, $4  }
0xf2: {  	v4 =	vsub.f32 v4, v1  }
0xf3: {  	s5 =	sadd.s32 $0x80, s5;
	v6 =	vmul.f32 v6, v3;
	v5 =	vsub.f32 v5, v2  }
0xf4: {  	s7 =	sand.u32 $0x70, s6;
	s8 =	sand.u32 $0x1C00, s5;
	v4 =	vmul.f32 v4, v3  }
0xf5: {  	s6 =	sadd.s32 $0x10, s6;
	[tilespmem:s4+$0x14400] =	vst v6;
	s4 =	sor.u32 s7, s8;
	v5 =	vmul.f32 v5, v3  }
0xf6: {  	s5 =	sadd.s32 $0x14400, s4;
	v6 =	vld [tilespmem:s4+$0x14400];
	[tilespmem:s3+$0x80] =	vst v4  }
0xf7: {  	v4 =	vld [tilespmem:s5+$0x80];
	[tilespmem:s3+$0x100] =	vst v5  }
0xf8: {  	v5 =	vld [tilespmem:s5+$0x100];
	_ =	sdelay $0x2  }
0xf9: {  	v0 =	vsub.f32 v6, v0  }
0xfa: {  	v1 =	vsub.f32 v4, v1  }
0xfb: {  	v0 =	vmul.f32 v0, v3;
	v2 =	vsub.f32 v5, v2  }
0xfc: {  	v1 =	vmul.f32 v1, v3  }
0xfd: {  	[tilespmem:s4+$0x14400] =	vst v0;
	v63 =	vmul.f32 v2, v3  }
0xfe: {  	[tilespmem:s5+$0x80] =	vst v1  }
0xff: {  	s29 =	simm.s32 $0x0;
	s30 =	simm.s32 $0x14400;
	s31 =	simm.s32 $0x1;
	[tilespmem:s5+$0x100] =	vst v63  }
0x100: {  	[hbm4b:s2+s29] =	stream.linear.scatter [tilespmem:s30], [sflag:$0x1], $0x2000, $0x38;
	[tilespmem:$0x16400] =	vst v63  }
0x101: {  	_ =	swait.ge [sflag:s31], $0x2000  }
0x102: {  	[sflag:s31] =	ssyncset.done $0x0  }
0x103: {  	[sflag:s31] =	ssyncadd.s32 $0xFFFFE000  }
.LBB2_16:
0x104: {  	_ =	sfence.sel $0x180000  }
0x105: {  	[bflag:$0x0] =	sbarrier.arrive $0xFFFF  }
0x106: {  	p0 =	sne.s32 s1, $0x0;
	_ =	strace $0x90000047  }
0x107: {  	s0 =	sadd.s32 @!p0 $0x100000, s0;
	[bflag:$0x2] =	sbarrier.arrive $0xFFFF  }
0x108: {  	[sflag:s0] =	ssyncadd.tile.s32 @!p0 $0x1;
	_ =	shalt  }
.Lfunc_end2:
_tile_overlayer_lowered:
.L_overlay_start_2:
0x109: {  	(tag) =	ssettag $0x2  }
0x10a: {  	s0 =	rddreg [dreg:$0x0];
	s2 =	stileid.u32  }
0x10b: {  	s1 =	rddreg [dreg:$0x1];
	p0 =	sne.s32 s2, $0x0  }
0x10c: {  	s3 =	rddreg [dreg:$0x2];
	[bflag:$0x3] =	sbarrier.arrive $0xFFFF;
	s2 =	simm.s32 @!p0 $0x1C01  }
0x10d: {  	[timem:s3], [sflag:s2] =	dma.local @!p0 [hbm:s0], s1  }
0x10e: {  	s0 =	simm.s32 @!p0 $0x1  }
0x10f: {  	_ =	swait.ge @!p0 [sflag:s0], s1  }
0x110: {  	s1 =	ssub.s32 @!p0 $0x0, s1;
	[sflag:s0] =	ssyncset.done @!p0 $0x0  }
0x111: {  	[sflag:s0] =	ssyncadd.s32 @!p0 s1  }
0x112: {  	[bflag:$0x3] =	sbarrier.arrive $0xFFFF  }
0x113: {  	_ =	shalt  }

</sc_bundles>
